<compile_context>
chip_gen: v7x
topology: tpu7x:2x2x1
jax: 0.10.2.dev20260603
libtpu: 0.0.44.dev20260713+nightly
codegen_flags: <defaults>
</compile_context>

<pallas_src>
import functools

import jax
import jax.numpy as jnp
from jax import lax
from jax.experimental import pallas as pl
from jax.experimental.pallas import tpu as pltpu
from jax.experimental.pallas import tpu_sc as plsc

_ACTION = 1000
_N = 1_000_000
_NC = 1
_NW = 16 * _NC
_PER_W = 999_936 // _NW
_TAIL = _N - _NW * _PER_W
_CHUNK = 3_472
_NCH = _PER_W // _CHUNK


@functools.partial(
    pl.kernel,
    mesh=plsc.VectorSubcoreMesh(
        core_axis_name="c", subcore_axis_name="s", num_cores=_NC
    ),
    out_type=jax.ShapeDtypeStruct((_N,), jnp.float32),
    scratch_types=[
        pltpu.VMEM((_CHUNK,), jnp.float32),
        pltpu.VMEM((16,), jnp.int32),
        pltpu.VMEM((16,), jnp.float32),
        pltpu.SemaphoreType.DMA,
        pltpu.SemaphoreType.DMA,
    ],
)
def _one_hot_sc(inp_hbm, out_hbm, zbuf, ivmem, onebuf, sem, sem_inp):
    wid = lax.axis_index("s") * _NC + lax.axis_index("c")
    base = wid * _PER_W

    inp_copy = pltpu.async_copy(inp_hbm, ivmem.at[pl.ds(0, 2)], sem_inp)

    zeros16 = jnp.zeros((16,), jnp.float32)
    for j in range(_CHUNK // 16):
        zbuf[pl.ds(j * 16, 16)] = zeros16

    copies = [
        pltpu.async_copy(zbuf, out_hbm.at[pl.ds(base + i * _CHUNK, _CHUNK)], sem)
        for i in range(_NCH)
    ]

    @pl.when(wid == 0)
    def _():
        copies.append(
            pltpu.async_copy(
                zbuf.at[pl.ds(0, _TAIL)], out_hbm.at[pl.ds(_NW * _PER_W, _TAIL)], sem
            )
        )

    inp_copy.wait()
    iv = ivmem[...]
    index = iv[0] * _ACTION + iv[1]
    q = index // _PER_W
    owner = jnp.where(q >= _NW, 0, q)
    base16 = (index // 16) * 16
    lane = index - base16
    onebuf[...] = jnp.where(lax.iota(jnp.int32, 16) == lane, 1.0, 0.0).astype(
        jnp.float32
    )

    for c in copies[:_NCH]:
        c.wait()

    @pl.when(wid == 0)
    def _():
        pltpu.make_async_copy(
            zbuf.at[pl.ds(0, _TAIL)], out_hbm.at[pl.ds(_NW * _PER_W, _TAIL)], sem
        ).wait()

    @pl.when(wid == owner)
    def _():
        pltpu.sync_copy(onebuf, out_hbm.at[pl.ds(base16, 16)])


def kernel(inp):
    return _one_hot_sc(inp)

# --- scband reference (transcript-rebuilt; emitter-appended) ---
"""Pipeline reference for scband-one-hot-1529008358109 (READ-ONLY COPY).

The authoritative reference and input builder live on the scoring server;
editing this copy changes nothing except your own understanding.
"""

import jax, jax.numpy as jnp
import numpy as np

ACTION_N = 1000  # stand-in for env.action_space.n (module closes over a global env)
INPUT_DIM = 1000000  # init_kwargs['input_dim'] = ACTION_N * ACTION_N


def setup_inputs(seed: int = 0) -> dict:
    key = jax.random.key(seed)
    # two action indices, each in [0, ACTION_N)
    inp = jax.random.randint(key, (2,), 0, ACTION_N, dtype=jnp.int32)
    return {"inp": inp}


def reference(inp):
    # index = inp[0] * env.action_space.n + inp[1]
    index = inp[0] * ACTION_N + inp[1]
    # out = torch.zeros(input_dim); out[index] = 1  -> scatter-overwrite
    out = jnp.zeros((INPUT_DIM,), dtype=jnp.float32).at[index].set(1.0)
    return out

if __name__ == "__main__":
    import jax
    _d = setup_inputs()
    print(jax.jit(kernel)(*tuple(_d.values())))

</pallas_src>

<mosaic_0001>
#map = affine_map<(d0, d1) -> (0)>
module attributes {stable_mosaic.version = 14 : i64} {
  func.func @_one_hot_sc(%arg0: i32, %arg1: i32, %arg2: memref<2xi32, #tpu.memory_space<hbm>>, %arg3: memref<1000000xf32, #tpu.memory_space<hbm>>, %arg4: memref<3472xf32, #tpu.memory_space<vmem>>, %arg5: memref<16xi32, #tpu.memory_space<vmem>>, %arg6: memref<16xf32, #tpu.memory_space<vmem>>, %arg7: memref<!tpu.dma_semaphore, #tpu.memory_space<semaphore_mem>>, %arg8: memref<!tpu.dma_semaphore, #tpu.memory_space<semaphore_mem>>) attributes {dimension_semantics = [#tpu.dimension_semantics<core_parallel>, #tpu.dimension_semantics<subcore_parallel>], iteration_bounds = array<i64: 1, 16>, scalar_prefetch = 0 : i64, scratch_operands = 5 : i64, tpu.core_type = #tpu.core_type<sc_vector_subcore>, window_params = [{transform_indices = #map}, {transform_indices = #map}]} {
    %mul3A = arith.constant 1 : i32
    %mul3A_0 = arith.muli %arg1, %mul3A : i32
    %add3A = arith.addi %mul3A_0, %arg0 : i32
    %mul3A_1 = arith.constant 62496 : i32
    %mul3A_2 = arith.muli %add3A, %mul3A_1 : i32
    %dma_start3A = arith.constant 0 : i32
    %dma_start3A_3 = tpu.memref_slice %arg5[%dma_start3A] : memref<16xi32, #tpu.memory_space<vmem>> -> memref<2xi32, #tpu.memory_space<vmem>>
    %dma_start3A_4 = arith.constant 0 : i32
    %dma_start3A_5 = tpu.memref_slice %arg5[%dma_start3A_4] : memref<16xi32, #tpu.memory_space<vmem>> -> memref<2xi32, #tpu.memory_space<vmem>>
    tpu.enqueue_dma source(%arg2 : memref<2xi32, #tpu.memory_space<hbm>>) target(%dma_start3A_5 : memref<2xi32, #tpu.memory_space<vmem>>) target_semaphore(%arg8 : memref<!tpu.dma_semaphore, #tpu.memory_space<semaphore_mem>>)
    %broadcast_in_dim3A = arith.constant 0.000000e+00 : f32
    %broadcast_in_dim3A_6 = vector.broadcast %broadcast_in_dim3A : f32 to vector<16xf32>
    %swap3A = arith.constant 0 : index
    %swap3A_7 = tpu.vector_load %arg4[%swap3A] {strides = array<i32>} : memref<3472xf32, #tpu.memory_space<vmem>>, vector<16xf32>,
    %swap3A_8 = vector.shape_cast %swap3A_7 : vector<16xf32> to vector<16xf32>
    %swap3A_9 = vector.shape_cast %broadcast_in_dim3A_6 : vector<16xf32> to vector<16xf32>
    tpu.vector_store %arg4[%swap3A], %swap3A_9 {strides = array<i32>} : memref<3472xf32, #tpu.memory_space<vmem>>, vector<16xf32>,
    %swap3A_10 = arith.constant 16 : index
    %swap3A_11 = tpu.vector_load %arg4[%swap3A_10] {strides = array<i32>} : memref<3472xf32, #tpu.memory_space<vmem>>, vector<16xf32>,
    %swap3A_12 = vector.shape_cast %swap3A_11 : vector<16xf32> to vector<16xf32>
    %swap3A_13 = vector.shape_cast %broadcast_in_dim3A_6 : vector<16xf32> to vector<16xf32>
    tpu.vector_store %arg4[%swap3A_10], %swap3A_13 {strides = array<i32>} : memref<3472xf32, #tpu.memory_space<vmem>>, vector<16xf32>,
    %swap3A_14 = arith.constant 32 : index
    %swap3A_15 = tpu.vector_load %arg4[%swap3A_14] {strides = array<i32>} : memref<3472xf32, #tpu.memory_space<vmem>>, vector<16xf32>,
    %swap3A_16 = vector.shape_cast %swap3A_15 : vector<16xf32> to vector<16xf32>
    %swap3A_17 = vector.shape_cast %broadcast_in_dim3A_6 : vector<16xf32> to vector<16xf32>
    tpu.vector_store %arg4[%swap3A_14], %swap3A_17 {strides = array<i32>} : memref<3472xf32, #tpu.memory_space<vmem>>, vector<16xf32>,
    %swap3A_18 = arith.constant 48 : index
    %swap3A_19 = tpu.vector_load %arg4[%swap3A_18] {strides = array<i32>} : memref<3472xf32, #tpu.memory_space<vmem>>, vector<16xf32>,
    %swap3A_20 = vector.shape_cast %swap3A_19 : vector<16xf32> to vector<16xf32>
    %swap3A_21 = vector.shape_cast %broadcast_in_dim3A_6 : vector<16xf32> to vector<16xf32>
    tpu.vector_store %arg4[%swap3A_18], %swap3A_21 {strides = array<i32>} : memref<3472xf32, #tpu.memory_space<vmem>>, vector<16xf32>,
    %swap3A_22 = arith.constant 64 : index
    %swap3A_23 = tpu.vector_load %arg4[%swap3A_22] {strides = array<i32>} : memref<3472xf32, #tpu.memory_space<vmem>>, vector<16xf32>,
    %swap3A_24 = vector.shape_cast %swap3A_23 : vector<16xf32> to vector<16xf32>
    %swap3A_25 = vector.shape_cast %broadcast_in_dim3A_6 : vector<16xf32> to vector<16xf32>
    tpu.vector_store %arg4[%swap3A_22], %swap3A_25 {strides = array<i32>} : memref<3472xf32, #tpu.memory_space<vmem>>, vector<16xf32>,
    %swap3A_26 = arith.constant 80 : index
    %swap3A_27 = tpu.vector_load %arg4[%swap3A_26] {strides = array<i32>} : memref<3472xf32, #tpu.memory_space<vmem>>, vector<16xf32>,
    %swap3A_28 = vector.shape_cast %swap3A_27 : vector<16xf32> to vector<16xf32>
    %swap3A_29 = vector.shape_cast %broadcast_in_dim3A_6 : vector<16xf32> to vector<16xf32>
    tpu.vector_store %arg4[%swap3A_26], %swap3A_29 {strides = array<i32>} : memref<3472xf32, #tpu.memory_space<vmem>>, vector<16xf32>,
    %swap3A_30 = arith.constant 96 : index
    %swap3A_31 = tpu.vector_load %arg4[%swap3A_30] {strides = array<i32>} : memref<3472xf32, #tpu.memory_space<vmem>>, vector<16xf32>,
    %swap3A_32 = vector.shape_cast %swap3A_31 : vector<16xf32> to vector<16xf32>
    %swap3A_33 = vector.shape_cast %broadcast_in_dim3A_6 : vector<16xf32> to vector<16xf32>
    tpu.vector_store %arg4[%swap3A_30], %swap3A_33 {strides = array<i32>} : memref<3472xf32, #tpu.memory_space<vmem>>, vector<16xf32>,
    %swap3A_34 = arith.constant 112 : index
    %swap3A_35 = tpu.vector_load %arg4[%swap3A_34] {strides = array<i32>} : memref<3472xf32, #tpu.memory_space<vmem>>, vector<16xf32>,
    %swap3A_36 = vector.shape_cast %swap3A_35 : vector<16xf32> to vector<16xf32>
    %swap3A_37 = vector.shape_cast %broadcast_in_dim3A_6 : vector<16xf32> to vector<16xf32>
    tpu.vector_store %arg4[%swap3A_34], %swap3A_37 {strides = array<i32>} : memref<3472xf32, #tpu.memory_space<vmem>>, vector<16xf32>,
    %swap3A_38 = arith.constant 128 : index
    %swap3A_39 = tpu.vector_load %arg4[%swap3A_38] {strides = array<i32>} : memref<3472xf32, #tpu.memory_space<vmem>>, vector<16xf32>,
    %swap3A_40 = vector.shape_cast %swap3A_39 : vector<16xf32> to vector<16xf32>
    %swap3A_41 = vector.shape_cast %broadcast_in_dim3A_6 : vector<16xf32> to vector<16xf32>
    tpu.vector_store %arg4[%swap3A_38], %swap3A_41 {strides = array<i32>} : memref<3472xf32, #tpu.memory_space<vmem>>, vector<16xf32>,
    %swap3A_42 = arith.constant 144 : index
    %swap3A_43 = tpu.vector_load %arg4[%swap3A_42] {strides = array<i32>} : memref<3472xf32, #tpu.memory_space<vmem>>, vector<16xf32>,
    %swap3A_44 = vector.shape_cast %swap3A_43 : vector<16xf32> to vector<16xf32>
    %swap3A_45 = vector.shape_cast %broadcast_in_dim3A_6 : vector<16xf32> to vector<16xf32>
    tpu.vector_store %arg4[%swap3A_42], %swap3A_45 {strides = array<i32>} : memref<3472xf32, #tpu.memory_space<vmem>>, vector<16xf32>,
    %swap3A_46 = arith.constant 160 : index
    %swap3A_47 = tpu.vector_load %arg4[%swap3A_46] {strides = array<i32>} : memref<3472xf32, #tpu.memory_space<vmem>>, vector<16xf32>,
    %swap3A_48 = vector.shape_cast %swap3A_47 : vector<16xf32> to vector<16xf32>
    %swap3A_49 = vector.shape_cast %broadcast_in_dim3A_6 : vector<16xf32> to vector<16xf32>
    tpu.vector_store %arg4[%swap3A_46], %swap3A_49 {strides = array<i32>} : memref<3472xf32, #tpu.memory_space<vmem>>, vector<16xf32>,
    %swap3A_50 = arith.constant 176 : index
    %swap3A_51 = tpu.vector_load %arg4[%swap3A_50] {strides = array<i32>} : memref<3472xf32, #tpu.memory_space<vmem>>, vector<16xf32>,
    %swap3A_52 = vector.shape_cast %swap3A_51 : vector<16xf32> to vector<16xf32>
    %swap3A_53 = vector.shape_cast %broadcast_in_dim3A_6 : vector<16xf32> to vector<16xf32>
    tpu.vector_store %arg4[%swap3A_50], %swap3A_53 {strides = array<i32>} : memref<3472xf32, #tpu.memory_space<vmem>>, vector<16xf32>,
    %swap3A_54 = arith.constant 192 : index
    %swap3A_55 = tpu.vector_load %arg4[%swap3A_54] {strides = array<i32>} : memref<3472xf32, #tpu.memory_space<vmem>>, vector<16xf32>,
    %swap3A_56 = vector.shape_cast %swap3A_55 : vector<16xf32> to vector<16xf32>
    %swap3A_57 = vector.shape_cast %broadcast_in_dim3A_6 : vector<16xf32> to vector<16xf32>
    tpu.vector_store %arg4[%swap3A_54], %swap3A_57 {strides = array<i32>} : memref<3472xf32, #tpu.memory_space<vmem>>, vector<16xf32>,
    %swap3A_58 = arith.constant 208 : index
    %swap3A_59 = tpu.vector_load %arg4[%swap3A_58] {strides = array<i32>} : memref<3472xf32, #tpu.memory_space<vmem>>, vector<16xf32>,
    %swap3A_60 = vector.shape_cast %swap3A_59 : vector<16xf32> to vector<16xf32>
    %swap3A_61 = vector.shape_cast %broadcast_in_dim3A_6 : vector<16xf32> to vector<16xf32>
    tpu.vector_store %arg4[%swap3A_58], %swap3A_61 {strides = array<i32>} : memref<3472xf32, #tpu.memory_space<vmem>>, vector<16xf32>,
    %swap3A_62 = arith.constant 224 : index
    %swap3A_63 = tpu.vector_load %arg4[%swap3A_62] {strides = array<i32>} : memref<3472xf32, #tpu.memory_space<vmem>>, vector<16xf32>,
    %swap3A_64 = vector.shape_cast %swap3A_63 : vector<16xf32> to vector<16xf32>
    %swap3A_65 = vector.shape_cast %broadcast_in_dim3A_6 : vector<16xf32> to vector<16xf32>
    tpu.vector_store %arg4[%swap3A_62], %swap3A_65 {strides = array<i32>} : memref<3472xf32, #tpu.memory_space<vmem>>, vector<16xf32>,
    %swap3A_66 = arith.constant 240 : index
    %swap3A_67 = tpu.vector_load %arg4[%swap3A_66] {strides = array<i32>} : memref<3472xf32, #tpu.memory_space<vmem>>, vector<16xf32>,
    %swap3A_68 = vector.shape_cast %swap3A_67 : vector<16xf32> to vector<16xf32>
    %swap3A_69 = vector.shape_cast %broadcast_in_dim3A_6 : vector<16xf32> to vector<16xf32>
    tpu.vector_store %arg4[%swap3A_66], %swap3A_69 {strides = array<i32>} : memref<3472xf32, #tpu.memory_space<vmem>>, vector<16xf32>,
    %swap3A_70 = arith.constant 256 : index
    %swap3A_71 = tpu.vector_load %arg4[%swap3A_70] {strides = array<i32>} : memref<3472xf32, #tpu.memory_space<vmem>>, vector<16xf32>,
    %swap3A_72 = vector.shape_cast %swap3A_71 : vector<16xf32> to vector<16xf32>
    %swap3A_73 = vector.shape_cast %broadcast_in_dim3A_6 : vector<16xf32> to vector<16xf32>
    tpu.vector_store %arg4[%swap3A_70], %swap3A_73 {strides = array<i32>} : memref<3472xf32, #tpu.memory_space<vmem>>, vector<16xf32>,
    %swap3A_74 = arith.constant 272 : index
    %swap3A_75 = tpu.vector_load %arg4[%swap3A_74] {strides = array<i32>} : memref<3472xf32, #tpu.memory_space<vmem>>, vector<16xf32>,
    %swap3A_76 = vector.shape_cast %swap3A_75 : vector<16xf32> to vector<16xf32>
    %swap3A_77 = vector.shape_cast %broadcast_in_dim3A_6 : vector<16xf32> to vector<16xf32>
    tpu.vector_store %arg4[%swap3A_74], %swap3A_77 {strides = array<i32>} : memref<3472xf32, #tpu.memory_space<vmem>>, vector<16xf32>,
    %swap3A_78 = arith.constant 288 : index
    %swap3A_79 = tpu.vector_load %arg4[%swap3A_78] {strides = array<i32>} : memref<3472xf32, #tpu.memory_space<vmem>>, vector<16xf32>,
    %swap3A_80 = vector.shape_cast %swap3A_79 : vector<16xf32> to vector<16xf32>
    %swap3A_81 = vector.shape_cast %broadcast_in_dim3A_6 : vector<16xf32> to vector<16xf32>
    tpu.vector_store %arg4[%swap3A_78], %swap3A_81 {strides = array<i32>} : memref<3472xf32, #tpu.memory_space<vmem>>, vector<16xf32>,
    %swap3A_82 = arith.constant 304 : index
    %swap3A_83 = tpu.vector_load %arg4[%swap3A_82] {strides = array<i32>} : memref<3472xf32, #tpu.memory_space<vmem>>, vector<16xf32>,
    %swap3A_84 = vector.shape_cast %swap3A_83 : vector<16xf32> to vector<16xf32>
    %swap3A_85 = vector.shape_cast %broadcast_in_dim3A_6 : vector<16xf32> to vector<16xf32>
    tpu.vector_store %arg4[%swap3A_82], %swap3A_85 {strides = array<i32>} : memref<3472xf32, #tpu.memory_space<vmem>>, vector<16xf32>,
    %swap3A_86 = arith.constant 320 : index
    %swap3A_87 = tpu.vector_load %arg4[%swap3A_86] {strides = array<i32>} : memref<3472xf32, #tpu.memory_space<vmem>>, vector<16xf32>,
    %swap3A_88 = vector.shape_cast %swap3A_87 : vector<16xf32> to vector<16xf32>
    %swap3A_89 = vector.shape_cast %broadcast_in_dim3A_6 : vector<16xf32> to vector<16xf32>
    tpu.vector_store %arg4[%swap3A_86], %swap3A_89 {strides = array<i32>} : memref<3472xf32, #tpu.memory_space<vmem>>, vector<16xf32>,
    %swap3A_90 = arith.constant 336 : index
    %swap3A_91 = tpu.vector_load %arg4[%swap3A_90] {strides = array<i32>} : memref<3472xf32, #tpu.memory_space<vmem>>, vector<16xf32>,
    %swap3A_92 = vector.shape_cast %swap3A_91 : vector<16xf32> to vector<16xf32>
    %swap3A_93 = vector.shape_cast %broadcast_in_dim3A_6 : vector<16xf32> to vector<16xf32>
    tpu.vector_store %arg4[%swap3A_90], %swap3A_93 {strides = array<i32>} : memref<3472xf32, #tpu.memory_space<vmem>>, vector<16xf32>,
    %swap3A_94 = arith.constant 352 : index
    %swap3A_95 = tpu.vector_load %arg4[%swap3A_94] {strides = array<i32>} : memref<3472xf32, #tpu.memory_space<vmem>>, vector<16xf32>,
    %swap3A_96 = vector.shape_cast %swap3A_95 : vector<16xf32> to vector<16xf32>
    %swap3A_97 = vector.shape_cast %broadcast_in_dim3A_6 : vector<16xf32> to vector<16xf32>
    tpu.vector_store %arg4[%swap3A_94], %swap3A_97 {strides = array<i32>} : memref<3472xf32, #tpu.memory_space<vmem>>, vector<16xf32>,
    %swap3A_98 = arith.constant 368 : index
    %swap3A_99 = tpu.vector_load %arg4[%swap3A_98] {strides = array<i32>} : memref<3472xf32, #tpu.memory_space<vmem>>, vector<16xf32>,
    %swap3A_100 = vector.shape_cast %swap3A_99 : vector<16xf32> to vector<16xf32>
    %swap3A_101 = vector.shape_cast %broadcast_in_dim3A_6 : vector<16xf32> to vector<16xf32>
    tpu.vector_store %arg4[%swap3A_98], %swap3A_101 {strides = array<i32>} : memref<3472xf32, #tpu.memory_space<vmem>>, vector<16xf32>,
    %swap3A_102 = arith.constant 384 : index
    %swap3A_103 = tpu.vector_load %arg4[%swap3A_102] {strides = array<i32>} : memref<3472xf32, #tpu.memory_space<vmem>>, vector<16xf32>,
    %swap3A_104 = vector.shape_cast %swap3A_103 : vector<16xf32> to vector<16xf32>
    %swap3A_105 = vector.shape_cast %broadcast_in_dim3A_6 : vector<16xf32> to vector<16xf32>
    tpu.vector_store %arg4[%swap3A_102], %swap3A_105 {strides = array<i32>} : memref<3472xf32, #tpu.memory_space<vmem>>, vector<16xf32>,
    %swap3A_106 = arith.constant 400 : index
    %swap3A_107 = tpu.vector_load %arg4[%swap3A_106] {strides = array<i32>} : memref<3472xf32, #tpu.memory_space<vmem>>, vector<16xf32>,
    %swap3A_108 = vector.shape_cast %swap3A_107 : vector<16xf32> to vector<16xf32>
    %swap3A_109 = vector.shape_cast %broadcast_in_dim3A_6 : vector<16xf32> to vector<16xf32>
    tpu.vector_store %arg4[%swap3A_106], %swap3A_109 {strides = array<i32>} : memref<3472xf32, #tpu.memory_space<vmem>>, vector<16xf32>,
    %swap3A_110 = arith.constant 416 : index
    %swap3A_111 = tpu.vector_load %arg4[%swap3A_110] {strides = array<i32>} : memref<3472xf32, #tpu.memory_space<vmem>>, vector<16xf32>,
    %swap3A_112 = vector.shape_cast %swap3A_111 : vector<16xf32> to vector<16xf32>
    %swap3A_113 = vector.shape_cast %broadcast_in_dim3A_6 : vector<16xf32> to vector<16xf32>
    tpu.vector_store %arg4[%swap3A_110], %swap3A_113 {strides = array<i32>} : memref<3472xf32, #tpu.memory_space<vmem>>, vector<16xf32>,
    %swap3A_114 = arith.constant 432 : index
    %swap3A_115 = tpu.vector_load %arg4[%swap3A_114] {strides = array<i32>} : memref<3472xf32, #tpu.memory_space<vmem>>, vector<16xf32>,
    %swap3A_116 = vector.shape_cast %swap3A_115 : vector<16xf32> to vector<16xf32>
    %swap3A_117 = vector.shape_cast %broadcast_in_dim3A_6 : vector<16xf32> to vector<16xf32>
    tpu.vector_store %arg4[%swap3A_114], %swap3A_117 {strides = array<i32>} : memref<3472xf32, #tpu.memory_space<vmem>>, vector<16xf32>,
    %swap3A_118 = arith.constant 448 : index
    %swap3A_119 = tpu.vector_load %arg4[%swap3A_118] {strides = array<i32>} : memref<3472xf32, #tpu.memory_space<vmem>>, vector<16xf32>,
    %swap3A_120 = vector.shape_cast %swap3A_119 : vector<16xf32> to vector<16xf32>
    %swap3A_121 = vector.shape_cast %broadcast_in_dim3A_6 : vector<16xf32> to vector<16xf32>
    tpu.vector_store %arg4[%swap3A_118], %swap3A_121 {strides = array<i32>} : memref<3472xf32, #tpu.memory_space<vmem>>, vector<16xf32>,
    %swap3A_122 = arith.constant 464 : index
    %swap3A_123 = tpu.vector_load %arg4[%swap3A_122] {strides = array<i32>} : memref<3472xf32, #tpu.memory_space<vmem>>, vector<16xf32>,
    %swap3A_124 = vector.shape_cast %swap3A_123 : vector<16xf32> to vector<16xf32>
    %swap3A_125 = vector.shape_cast %broadcast_in_dim3A_6 : vector<16xf32> to vector<16xf32>
    tpu.vector_store %arg4[%swap3A_122], %swap3A_125 {strides = array<i32>} : memref<3472xf32, #tpu.memory_space<vmem>>, vector<16xf32>,
    %swap3A_126 = arith.constant 480 : index
    %swap3A_127 = tpu.vector_load %arg4[%swap3A_126] {strides = array<i32>} : memref<3472xf32, #tpu.memory_space<vmem>>, vector<16xf32>,
    %swap3A_128 = vector.shape_cast %swap3A_127 : vector<16xf32> to vector<16xf32>
    %swap3A_129 = vector.shape_cast %broadcast_in_dim3A_6 : vector<16xf32> to vector<16xf32>
    tpu.vector_store %arg4[%swap3A_126], %swap3A_129 {strides = array<i32>} : memref<3472xf32, #tpu.memory_space<vmem>>, vector<16xf32>,
    %swap3A_130 = arith.constant 496 : index
    %swap3A_131 = tpu.vector_load %arg4[%swap3A_130] {strides = array<i32>} : memref<3472xf32, #tpu.memory_space<vmem>>, vector<16xf32>,
    %swap3A_132 = vector.shape_cast %swap3A_131 : vector<16xf32> to vector<16xf32>
    %swap3A_133 = vector.shape_cast %broadcast_in_dim3A_6 : vector<16xf32> to vector<16xf32>
    tpu.vector_store %arg4[%swap3A_130], %swap3A_133 {strides = array<i32>} : memref<3472xf32, #tpu.memory_space<vmem>>, vector<16xf32>,
    %swap3A_134 = arith.constant 512 : index
    %swap3A_135 = tpu.vector_load %arg4[%swap3A_134] {strides = array<i32>} : memref<3472xf32, #tpu.memory_space<vmem>>, vector<16xf32>,
    %swap3A_136 = vector.shape_cast %swap3A_135 : vector<16xf32> to vector<16xf32>
    %swap3A_137 = vector.shape_cast %broadcast_in_dim3A_6 : vector<16xf32> to vector<16xf32>
    tpu.vector_store %arg4[%swap3A_134], %swap3A_137 {strides = array<i32>} : memref<3472xf32, #tpu.memory_space<vmem>>, vector<16xf32>,
    %swap3A_138 = arith.constant 528 : index
    %swap3A_139 = tpu.vector_load %arg4[%swap3A_138] {strides = array<i32>} : memref<3472xf32, #tpu.memory_space<vmem>>, vector<16xf32>,
    %swap3A_140 = vector.shape_cast %swap3A_139 : vector<16xf32> to vector<16xf32>
    %swap3A_141 = vector.shape_cast %broadcast_in_dim3A_6 : vector<16xf32> to vector<16xf32>
    tpu.vector_store %arg4[%swap3A_138], %swap3A_141 {strides = array<i32>} : memref<3472xf32, #tpu.memory_space<vmem>>, vector<16xf32>,
    %swap3A_142 = arith.constant 544 : index
    %swap3A_143 = tpu.vector_load %arg4[%swap3A_142] {strides = array<i32>} : memref<3472xf32, #tpu.memory_space<vmem>>, vector<16xf32>,
    %swap3A_144 = vector.shape_cast %swap3A_143 : vector<16xf32> to vector<16xf32>
    %swap3A_145 = vector.shape_cast %broadcast_in_dim3A_6 : vector<16xf32> to vector<16xf32>
    tpu.vector_store %arg4[%swap3A_142], %swap3A_145 {strides = array<i32>} : memref<3472xf32, #tpu.memory_space<vmem>>, vector<16xf32>,
    %swap3A_146 = arith.constant 560 : index
    %swap3A_147 = tpu.vector_load %arg4[%swap3A_146] {strides = array<i32>} : memref<3472xf32, #tpu.memory_space<vmem>>, vector<16xf32>,
    %swap3A_148 = vector.shape_cast %swap3A_147 : vector<16xf32> to vector<16xf32>
    %swap3A_149 = vector.shape_cast %broadcast_in_dim3A_6 : vector<16xf32> to vector<16xf32>
    tpu.vector_store %arg4[%swap3A_146], %swap3A_149 {strides = array<i32>} : memref<3472xf32, #tpu.memory_space<vmem>>, vector<16xf32>,
    %swap3A_150 = arith.constant 576 : index
    %swap3A_151 = tpu.vector_load %arg4[%swap3A_150] {strides = array<i32>} : memref<3472xf32, #tpu.memory_space<vmem>>, vector<16xf32>,
    %swap3A_152 = vector.shape_cast %swap3A_151 : vector<16xf32> to vector<16xf32>
    %swap3A_153 = vector.shape_cast %broadcast_in_dim3A_6 : vector<16xf32> to vector<16xf32>
    tpu.vector_store %arg4[%swap3A_150], %swap3A_153 {strides = array<i32>} : memref<3472xf32, #tpu.memory_space<vmem>>, vector<16xf32>,
    %swap3A_154 = arith.constant 592 : index
    %swap3A_155 = tpu.vector_load %arg4[%swap3A_154] {strides = array<i32>} : memref<3472xf32, #tpu.memory_space<vmem>>, vector<16xf32>,
    %swap3A_156 = vector.shape_cast %swap3A_155 : vector<16xf32> to vector<16xf32>
    %swap3A_157 = vector.shape_cast %broadcast_in_dim3A_6 : vector<16xf32> to vector<16xf32>
    tpu.vector_store %arg4[%swap3A_154], %swap3A_157 {strides = array<i32>} : memref<3472xf32, #tpu.memory_space<vmem>>, vector<16xf32>,
    %swap3A_158 = arith.constant 608 : index
    %swap3A_159 = tpu.vector_load %arg4[%swap3A_158] {strides = array<i32>} : memref<3472xf32, #tpu.memory_space<vmem>>, vector<16xf32>,
    %swap3A_160 = vector.shape_cast %swap3A_159 : vector<16xf32> to vector<16xf32>
    %swap3A_161 = vector.shape_cast %broadcast_in_dim3A_6 : vector<16xf32> to vector<16xf32>
    tpu.vector_store %arg4[%swap3A_158], %swap3A_161 {strides = array<i32>} : memref<3472xf32, #tpu.memory_space<vmem>>, vector<16xf32>,
    %swap3A_162 = arith.constant 624 : index
    %swap3A_163 = tpu.vector_load %arg4[%swap3A_162] {strides = array<i32>} : memref<3472xf32, #tpu.memory_space<vmem>>, vector<16xf32>,
    %swap3A_164 = vector.shape_cast %swap3A_163 : vector<16xf32> to vector<16xf32>
    %swap3A_165 = vector.shape_cast %broadcast_in_dim3A_6 : vector<16xf32> to vector<16xf32>
    tpu.vector_store %arg4[%swap3A_162], %swap3A_165 {strides = array<i32>} : memref<3472xf32, #tpu.memory_space<vmem>>, vector<16xf32>,
    %swap3A_166 = arith.constant 640 : index
    %swap3A_167 = tpu.vector_load %arg4[%swap3A_166] {strides = array<i32>} : memref<3472xf32, #tpu.memory_space<vmem>>, vector<16xf32>,
    %swap3A_168 = vector.shape_cast %swap3A_167 : vector<16xf32> to vector<16xf32>
    %swap3A_169 = vector.shape_cast %broadcast_in_dim3A_6 : vector<16xf32> to vector<16xf32>
    tpu.vector_store %arg4[%swap3A_166], %swap3A_169 {strides = array<i32>} : memref<3472xf32, #tpu.memory_space<vmem>>, vector<16xf32>,
    %swap3A_170 = arith.constant 656 : index
    %swap3A_171 = tpu.vector_load %arg4[%swap3A_170] {strides = array<i32>} : memref<3472xf32, #tpu.memory_space<vmem>>, vector<16xf32>,
    %swap3A_172 = vector.shape_cast %swap3A_171 : vector<16xf32> to vector<16xf32>
    %swap3A_173 = vector.shape_cast %broadcast_in_dim3A_6 : vector<16xf32> to vector<16xf32>
    tpu.vector_store %arg4[%swap3A_170], %swap3A_173 {strides = array<i32>} : memref<3472xf32, #tpu.memory_space<vmem>>, vector<16xf32>,
    %swap3A_174 = arith.constant 672 : index
    %swap3A_175 = tpu.vector_load %arg4[%swap3A_174] {strides = array<i32>} : memref<3472xf32, #tpu.memory_space<vmem>>, vector<16xf32>,
    %swap3A_176 = vector.shape_cast %swap3A_175 : vector<16xf32> to vector<16xf32>
    %swap3A_177 = vector.shape_cast %broadcast_in_dim3A_6 : vector<16xf32> to vector<16xf32>
    tpu.vector_store %arg4[%swap3A_174], %swap3A_177 {strides = array<i32>} : memref<3472xf32, #tpu.memory_space<vmem>>, vector<16xf32>,
    %swap3A_178 = arith.constant 688 : index
    %swap3A_179 = tpu.vector_load %arg4[%swap3A_178] {strides = array<i32>} : memref<3472xf32, #tpu.memory_space<vmem>>, vector<16xf32>,
    %swap3A_180 = vector.shape_cast %swap3A_179 : vector<16xf32> to vector<16xf32>
    %swap3A_181 = vector.shape_cast %broadcast_in_dim3A_6 : vector<16xf32> to vector<16xf32>
    tpu.vector_store %arg4[%swap3A_178], %swap3A_181 {strides = array<i32>} : memref<3472xf32, #tpu.memory_space<vmem>>, vector<16xf32>,
    %swap3A_182 = arith.constant 704 : index
    %swap3A_183 = tpu.vector_load %arg4[%swap3A_182] {strides = array<i32>} : memref<3472xf32, #tpu.memory_space<vmem>>, vector<16xf32>,
    %swap3A_184 = vector.shape_cast %swap3A_183 : vector<16xf32> to vector<16xf32>
    %swap3A_185 = vector.shape_cast %broadcast_in_dim3A_6 : vector<16xf32> to vector<16xf32>
    tpu.vector_store %arg4[%swap3A_182], %swap3A_185 {strides = array<i32>} : memref<3472xf32, #tpu.memory_space<vmem>>, vector<16xf32>,
    %swap3A_186 = arith.constant 720 : index
    %swap3A_187 = tpu.vector_load %arg4[%swap3A_186] {strides = array<i32>} : memref<3472xf32, #tpu.memory_space<vmem>>, vector<16xf32>,
    %swap3A_188 = vector.shape_cast %swap3A_187 : vector<16xf32> to vector<16xf32>
    %swap3A_189 = vector.shape_cast %broadcast_in_dim3A_6 : vector<16xf32> to vector<16xf32>
    tpu.vector_store %arg4[%swap3A_186], %swap3A_189 {strides = array<i32>} : memref<3472xf32, #tpu.memory_space<vmem>>, vector<16xf32>,
    %swap3A_190 = arith.constant 736 : index
    %swap3A_191 = tpu.vector_load %arg4[%swap3A_190] {strides = array<i32>} : memref<3472xf32, #tpu.memory_space<vmem>>, vector<16xf32>,
    %swap3A_192 = vector.shape_cast %swap3A_191 : vector<16xf32> to vector<16xf32>
    %swap3A_193 = vector.shape_cast %broadcast_in_dim3A_6 : vector<16xf32> to vector<16xf32>
    tpu.vector_store %arg4[%swap3A_190], %swap3A_193 {strides = array<i32>} : memref<3472xf32, #tpu.memory_space<vmem>>, vector<16xf32>,
    %swap3A_194 = arith.constant 752 : index
    %swap3A_195 = tpu.vector_load %arg4[%swap3A_194] {strides = array<i32>} : memref<3472xf32, #tpu.memory_space<vmem>>, vector<16xf32>,
    %swap3A_196 = vector.shape_cast %swap3A_195 : vector<16xf32> to vector<16xf32>
    %swap3A_197 = vector.shape_cast %broadcast_in_dim3A_6 : vector<16xf32> to vector<16xf32>
    tpu.vector_store %arg4[%swap3A_194], %swap3A_197 {strides = array<i32>} : memref<3472xf32, #tpu.memory_space<vmem>>, vector<16xf32>,
    %swap3A_198 = arith.constant 768 : index
    %swap3A_199 = tpu.vector_load %arg4[%swap3A_198] {strides = array<i32>} : memref<3472xf32, #tpu.memory_space<vmem>>, vector<16xf32>,
    %swap3A_200 = vector.shape_cast %swap3A_199 : vector<16xf32> to vector<16xf32>
    %swap3A_201 = vector.shape_cast %broadcast_in_dim3A_6 : vector<16xf32> to vector<16xf32>
    tpu.vector_store %arg4[%swap3A_198], %swap3A_201 {strides = array<i32>} : memref<3472xf32, #tpu.memory_space<vmem>>, vector<16xf32>,
    %swap3A_202 = arith.constant 784 : index
    %swap3A_203 = tpu.vector_load %arg4[%swap3A_202] {strides = array<i32>} : memref<3472xf32, #tpu.memory_space<vmem>>, vector<16xf32>,
    %swap3A_204 = vector.shape_cast %swap3A_203 : vector<16xf32> to vector<16xf32>
    %swap3A_205 = vector.shape_cast %broadcast_in_dim3A_6 : vector<16xf32> to vector<16xf32>
    tpu.vector_store %arg4[%swap3A_202], %swap3A_205 {strides = array<i32>} : memref<3472xf32, #tpu.memory_space<vmem>>, vector<16xf32>,
    %swap3A_206 = arith.constant 800 : index
    %swap3A_207 = tpu.vector_load %arg4[%swap3A_206] {strides = array<i32>} : memref<3472xf32, #tpu.memory_space<vmem>>, vector<16xf32>,
    %swap3A_208 = vector.shape_cast %swap3A_207 : vector<16xf32> to vector<16xf32>
    %swap3A_209 = vector.shape_cast %broadcast_in_dim3A_6 : vector<16xf32> to vector<16xf32>
    tpu.vector_store %arg4[%swap3A_206], %swap3A_209 {strides = array<i32>} : memref<3472xf32, #tpu.memory_space<vmem>>, vector<16xf32>,
    %swap3A_210 = arith.constant 816 : index
    %swap3A_211 = tpu.vector_load %arg4[%swap3A_210] {strides = array<i32>} : memref<3472xf32, #tpu.memory_space<vmem>>, vector<16xf32>,
    %swap3A_212 = vector.shape_cast %swap3A_211 : vector<16xf32> to vector<16xf32>
    %swap3A_213 = vector.shape_cast %broadcast_in_dim3A_6 : vector<16xf32> to vector<16xf32>
    tpu.vector_store %arg4[%swap3A_210], %swap3A_213 {strides = array<i32>} : memref<3472xf32, #tpu.memory_space<vmem>>, vector<16xf32>,
    %swap3A_214 = arith.constant 832 : index
    %swap3A_215 = tpu.vector_load %arg4[%swap3A_214] {strides = array<i32>} : memref<3472xf32, #tpu.memory_space<vmem>>, vector<16xf32>,
    %swap3A_216 = vector.shape_cast %swap3A_215 : vector<16xf32> to vector<16xf32>
    %swap3A_217 = vector.shape_cast %broadcast_in_dim3A_6 : vector<16xf32> to vector<16xf32>
    tpu.vector_store %arg4[%swap3A_214], %swap3A_217 {strides = array<i32>} : memref<3472xf32, #tpu.memory_space<vmem>>, vector<16xf32>,
    %swap3A_218 = arith.constant 848 : index
    %swap3A_219 = tpu.vector_load %arg4[%swap3A_218] {strides = array<i32>} : memref<3472xf32, #tpu.memory_space<vmem>>, vector<16xf32>,
    %swap3A_220 = vector.shape_cast %swap3A_219 : vector<16xf32> to vector<16xf32>
    %swap3A_221 = vector.shape_cast %broadcast_in_dim3A_6 : vector<16xf32> to vector<16xf32>
    tpu.vector_store %arg4[%swap3A_218], %swap3A_221 {strides = array<i32>} : memref<3472xf32, #tpu.memory_space<vmem>>, vector<16xf32>,
    %swap3A_222 = arith.constant 864 : index
    %swap3A_223 = tpu.vector_load %arg4[%swap3A_222] {strides = array<i32>} : memref<3472xf32, #tpu.memory_space<vmem>>, vector<16xf32>,
    %swap3A_224 = vector.shape_cast %swap3A_223 : vector<16xf32> to vector<16xf32>
    %swap3A_225 = vector.shape_cast %broadcast_in_dim3A_6 : vector<16xf32> to vector<16xf32>
    tpu.vector_store %arg4[%swap3A_222], %swap3A_225 {strides = array<i32>} : memref<3472xf32, #tpu.memory_space<vmem>>, vector<16xf32>,
    %swap3A_226 = arith.constant 880 : index
    %swap3A_227 = tpu.vector_load %arg4[%swap3A_226] {strides = array<i32>} : memref<3472xf32, #tpu.memory_space<vmem>>, vector<16xf32>,
    %swap3A_228 = vector.shape_cast %swap3A_227 : vector<16xf32> to vector<16xf32>
    %swap3A_229 = vector.shape_cast %broadcast_in_dim3A_6 : vector<16xf32> to vector<16xf32>
    tpu.vector_store %arg4[%swap3A_226], %swap3A_229 {strides = array<i32>} : memref<3472xf32, #tpu.memory_space<vmem>>, vector<16xf32>,
    %swap3A_230 = arith.constant 896 : index
    %swap3A_231 = tpu.vector_load %arg4[%swap3A_230] {strides = array<i32>} : memref<3472xf32, #tpu.memory_space<vmem>>, vector<16xf32>,
    %swap3A_232 = vector.shape_cast %swap3A_231 : vector<16xf32> to vector<16xf32>
    %swap3A_233 = vector.shape_cast %broadcast_in_dim3A_6 : vector<16xf32> to vector<16xf32>
    tpu.vector_store %arg4[%swap3A_230], %swap3A_233 {strides = array<i32>} : memref<3472xf32, #tpu.memory_space<vmem>>, vector<16xf32>,
    %swap3A_234 = arith.constant 912 : index
    %swap3A_235 = tpu.vector_load %arg4[%swap3A_234] {strides = array<i32>} : memref<3472xf32, #tpu.memory_space<vmem>>, vector<16xf32>,
    %swap3A_236 = vector.shape_cast %swap3A_235 : vector<16xf32> to vector<16xf32>
    %swap3A_237 = vector.shape_cast %broadcast_in_dim3A_6 : vector<16xf32> to vector<16xf32>
    tpu.vector_store %arg4[%swap3A_234], %swap3A_237 {strides = array<i32>} : memref<3472xf32, #tpu.memory_space<vmem>>, vector<16xf32>,
    %swap3A_238 = arith.constant 928 : index
    %swap3A_239 = tpu.vector_load %arg4[%swap3A_238] {strides = array<i32>} : memref<3472xf32, #tpu.memory_space<vmem>>, vector<16xf32>,
    %swap3A_240 = vector.shape_cast %swap3A_239 : vector<16xf32> to vector<16xf32>
    %swap3A_241 = vector.shape_cast %broadcast_in_dim3A_6 : vector<16xf32> to vector<16xf32>
    tpu.vector_store %arg4[%swap3A_238], %swap3A_241 {strides = array<i32>} : memref<3472xf32, #tpu.memory_space<vmem>>, vector<16xf32>,
    %swap3A_242 = arith.constant 944 : index
    %swap3A_243 = tpu.vector_load %arg4[%swap3A_242] {strides = array<i32>} : memref<3472xf32, #tpu.memory_space<vmem>>, vector<16xf32>,
    %swap3A_244 = vector.shape_cast %swap3A_243 : vector<16xf32> to vector<16xf32>
    %swap3A_245 = vector.shape_cast %broadcast_in_dim3A_6 : vector<16xf32> to vector<16xf32>
    tpu.vector_store %arg4[%swap3A_242], %swap3A_245 {strides = array<i32>} : memref<3472xf32, #tpu.memory_space<vmem>>, vector<16xf32>,
    %swap3A_246 = arith.constant 960 : index
    %swap3A_247 = tpu.vector_load %arg4[%swap3A_246] {strides = array<i32>} : memref<3472xf32, #tpu.memory_space<vmem>>, vector<16xf32>,
    %swap3A_248 = vector.shape_cast %swap3A_247 : vector<16xf32> to vector<16xf32>
    %swap3A_249 = vector.shape_cast %broadcast_in_dim3A_6 : vector<16xf32> to vector<16xf32>
    tpu.vector_store %arg4[%swap3A_246], %swap3A_249 {strides = array<i32>} : memref<3472xf32, #tpu.memory_space<vmem>>, vector<16xf32>,
    %swap3A_250 = arith.constant 976 : index
    %swap3A_251 = tpu.vector_load %arg4[%swap3A_250] {strides = array<i32>} : memref<3472xf32, #tpu.memory_space<vmem>>, vector<16xf32>,
    %swap3A_252 = vector.shape_cast %swap3A_251 : vector<16xf32> to vector<16xf32>
    %swap3A_253 = vector.shape_cast %broadcast_in_dim3A_6 : vector<16xf32> to vector<16xf32>
    tpu.vector_store %arg4[%swap3A_250], %swap3A_253 {strides = array<i32>} : memref<3472xf32, #tpu.memory_space<vmem>>, vector<16xf32>,
    %swap3A_254 = arith.constant 992 : index
    %swap3A_255 = tpu.vector_load %arg4[%swap3A_254] {strides = array<i32>} : memref<3472xf32, #tpu.memory_space<vmem>>, vector<16xf32>,
    %swap3A_256 = vector.shape_cast %swap3A_255 : vector<16xf32> to vector<16xf32>
    %swap3A_257 = vector.shape_cast %broadcast_in_dim3A_6 : vector<16xf32> to vector<16xf32>
    tpu.vector_store %arg4[%swap3A_254], %swap3A_257 {strides = array<i32>} : memref<3472xf32, #tpu.memory_space<vmem>>, vector<16xf32>,
    %swap3A_258 = arith.constant 1008 : index
    %swap3A_259 = tpu.vector_load %arg4[%swap3A_258] {strides = array<i32>} : memref<3472xf32, #tpu.memory_space<vmem>>, vector<16xf32>,
    %swap3A_260 = vector.shape_cast %swap3A_259 : vector<16xf32> to vector<16xf32>
    %swap3A_261 = vector.shape_cast %broadcast_in_dim3A_6 : vector<16xf32> to vector<16xf32>
    tpu.vector_store %arg4[%swap3A_258], %swap3A_261 {strides = array<i32>} : memref<3472xf32, #tpu.memory_space<vmem>>, vector<16xf32>,
    %swap3A_262 = arith.constant 1024 : index
    %swap3A_263 = tpu.vector_load %arg4[%swap3A_262] {strides = array<i32>} : memref<3472xf32, #tpu.memory_space<vmem>>, vector<16xf32>,
    %swap3A_264 = vector.shape_cast %swap3A_263 : vector<16xf32> to vector<16xf32>
    %swap3A_265 = vector.shape_cast %broadcast_in_dim3A_6 : vector<16xf32> to vector<16xf32>
    tpu.vector_store %arg4[%swap3A_262], %swap3A_265 {strides = array<i32>} : memref<3472xf32, #tpu.memory_space<vmem>>, vector<16xf32>,
    %swap3A_266 = arith.constant 1040 : index
    %swap3A_267 = tpu.vector_load %arg4[%swap3A_266] {strides = array<i32>} : memref<3472xf32, #tpu.memory_space<vmem>>, vector<16xf32>,
    %swap3A_268 = vector.shape_cast %swap3A_267 : vector<16xf32> to vector<16xf32>
    %swap3A_269 = vector.shape_cast %broadcast_in_dim3A_6 : vector<16xf32> to vector<16xf32>
    tpu.vector_store %arg4[%swap3A_266], %swap3A_269 {strides = array<i32>} : memref<3472xf32, #tpu.memory_space<vmem>>, vector<16xf32>,
    %swap3A_270 = arith.constant 1056 : index
    %swap3A_271 = tpu.vector_load %arg4[%swap3A_270] {strides = array<i32>} : memref<3472xf32, #tpu.memory_space<vmem>>, vector<16xf32>,
    %swap3A_272 = vector.shape_cast %swap3A_271 : vector<16xf32> to vector<16xf32>
    %swap3A_273 = vector.shape_cast %broadcast_in_dim3A_6 : vector<16xf32> to vector<16xf32>
    tpu.vector_store %arg4[%swap3A_270], %swap3A_273 {strides = array<i32>} : memref<3472xf32, #tpu.memory_space<vmem>>, vector<16xf32>,
    %swap3A_274 = arith.constant 1072 : index
    %swap3A_275 = tpu.vector_load %arg4[%swap3A_274] {strides = array<i32>} : memref<3472xf32, #tpu.memory_space<vmem>>, vector<16xf32>,
    %swap3A_276 = vector.shape_cast %swap3A_275 : vector<16xf32> to vector<16xf32>
    %swap3A_277 = vector.shape_cast %broadcast_in_dim3A_6 : vector<16xf32> to vector<16xf32>
    tpu.vector_store %arg4[%swap3A_274], %swap3A_277 {strides = array<i32>} : memref<3472xf32, #tpu.memory_space<vmem>>, vector<16xf32>,
    %swap3A_278 = arith.constant 1088 : index
    %swap3A_279 = tpu.vector_load %arg4[%swap3A_278] {strides = array<i32>} : memref<3472xf32, #tpu.memory_space<vmem>>, vector<16xf32>,
    %swap3A_280 = vector.shape_cast %swap3A_279 : vector<16xf32> to vector<16xf32>
    %swap3A_281 = vector.shape_cast %broadcast_in_dim3A_6 : vector<16xf32> to vector<16xf32>
    tpu.vector_store %arg4[%swap3A_278], %swap3A_281 {strides = array<i32>} : memref<3472xf32, #tpu.memory_space<vmem>>, vector<16xf32>,
    %swap3A_282 = arith.constant 1104 : index
    %swap3A_283 = tpu.vector_load %arg4[%swap3A_282] {strides = array<i32>} : memref<3472xf32, #tpu.memory_space<vmem>>, vector<16xf32>,
    %swap3A_284 = vector.shape_cast %swap3A_283 : vector<16xf32> to vector<16xf32>
    %swap3A_285 = vector.shape_cast %broadcast_in_dim3A_6 : vector<16xf32> to vector<16xf32>
    tpu.vector_store %arg4[%swap3A_282], %swap3A_285 {strides = array<i32>} : memref<3472xf32, #tpu.memory_space<vmem>>, vector<16xf32>,
    %swap3A_286 = arith.constant 1120 : index
    %swap3A_287 = tpu.vector_load %arg4[%swap3A_286] {strides = array<i32>} : memref<3472xf32, #tpu.memory_space<vmem>>, vector<16xf32>,
    %swap3A_288 = vector.shape_cast %swap3A_287 : vector<16xf32> to vector<16xf32>
    %swap3A_289 = vector.shape_cast %broadcast_in_dim3A_6 : vector<16xf32> to vector<16xf32>
    tpu.vector_store %arg4[%swap3A_286], %swap3A_289 {strides = array<i32>} : memref<3472xf32, #tpu.memory_space<vmem>>, vector<16xf32>,
    %swap3A_290 = arith.constant 1136 : index
    %swap3A_291 = tpu.vector_load %arg4[%swap3A_290] {strides = array<i32>} : memref<3472xf32, #tpu.memory_space<vmem>>, vector<16xf32>,
    %swap3A_292 = vector.shape_cast %swap3A_291 : vector<16xf32> to vector<16xf32>
    %swap3A_293 = vector.shape_cast %broadcast_in_dim3A_6 : vector<16xf32> to vector<16xf32>
    tpu.vector_store %arg4[%swap3A_290], %swap3A_293 {strides = array<i32>} : memref<3472xf32, #tpu.memory_space<vmem>>, vector<16xf32>,
    %swap3A_294 = arith.constant 1152 : index
    %swap3A_295 = tpu.vector_load %arg4[%swap3A_294] {strides = array<i32>} : memref<3472xf32, #tpu.memory_space<vmem>>, vector<16xf32>,
    %swap3A_296 = vector.shape_cast %swap3A_295 : vector<16xf32> to vector<16xf32>
    %swap3A_297 = vector.shape_cast %broadcast_in_dim3A_6 : vector<16xf32> to vector<16xf32>
    tpu.vector_store %arg4[%swap3A_294], %swap3A_297 {strides = array<i32>} : memref<3472xf32, #tpu.memory_space<vmem>>, vector<16xf32>,
    %swap3A_298 = arith.constant 1168 : index
    %swap3A_299 = tpu.vector_load %arg4[%swap3A_298] {strides = array<i32>} : memref<3472xf32, #tpu.memory_space<vmem>>, vector<16xf32>,
    %swap3A_300 = vector.shape_cast %swap3A_299 : vector<16xf32> to vector<16xf32>
    %swap3A_301 = vector.shape_cast %broadcast_in_dim3A_6 : vector<16xf32> to vector<16xf32>
    tpu.vector_store %arg4[%swap3A_298], %swap3A_301 {strides = array<i32>} : memref<3472xf32, #tpu.memory_space<vmem>>, vector<16xf32>,
    %swap3A_302 = arith.constant 1184 : index
    %swap3A_303 = tpu.vector_load %arg4[%swap3A_302] {strides = array<i32>} : memref<3472xf32, #tpu.memory_space<vmem>>, vector<16xf32>,
    %swap3A_304 = vector.shape_cast %swap3A_303 : vector<16xf32> to vector<16xf32>
    %swap3A_305 = vector.shape_cast %broadcast_in_dim3A_6 : vector<16xf32> to vector<16xf32>
    tpu.vector_store %arg4[%swap3A_302], %swap3A_305 {strides = array<i32>} : memref<3472xf32, #tpu.memory_space<vmem>>, vector<16xf32>,
    %swap3A_306 = arith.constant 1200 : index
    %swap3A_307 = tpu.vector_load %arg4[%swap3A_306] {strides = array<i32>} : memref<3472xf32, #tpu.memory_space<vmem>>, vector<16xf32>,
    %swap3A_308 = vector.shape_cast %swap3A_307 : vector<16xf32> to vector<16xf32>
    %swap3A_309 = vector.shape_cast %broadcast_in_dim3A_6 : vector<16xf32> to vector<16xf32>
    tpu.vector_store %arg4[%swap3A_306], %swap3A_309 {strides = array<i32>} : memref<3472xf32, #tpu.memory_space<vmem>>, vector<16xf32>,
    %swap3A_310 = arith.constant 1216 : index
    %swap3A_311 = tpu.vector_load %arg4[%swap3A_310] {strides = array<i32>} : memref<3472xf32, #tpu.memory_space<vmem>>, vector<16xf32>,
    %swap3A_312 = vector.shape_cast %swap3A_311 : vector<16xf32> to vector<16xf32>
    %swap3A_313 = vector.shape_cast %broadcast_in_dim3A_6 : vector<16xf32> to vector<16xf32>
    tpu.vector_store %arg4[%swap3A_310], %swap3A_313 {strides = array<i32>} : memref<3472xf32, #tpu.memory_space<vmem>>, vector<16xf32>,
    %swap3A_314 = arith.constant 1232 : index
    %swap3A_315 = tpu.vector_load %arg4[%swap3A_314] {strides = array<i32>} : memref<3472xf32, #tpu.memory_space<vmem>>, vector<16xf32>,
    %swap3A_316 = vector.shape_cast %swap3A_315 : vector<16xf32> to vector<16xf32>
    %swap3A_317 = vector.shape_cast %broadcast_in_dim3A_6 : vector<16xf32> to vector<16xf32>
    tpu.vector_store %arg4[%swap3A_314], %swap3A_317 {strides = array<i32>} : memref<3472xf32, #tpu.memory_space<vmem>>, vector<16xf32>,
    %swap3A_318 = arith.constant 1248 : index
    %swap3A_319 = tpu.vector_load %arg4[%swap3A_318] {strides = array<i32>} : memref<3472xf32, #tpu.memory_space<vmem>>, vector<16xf32>,
    %swap3A_320 = vector.shape_cast %swap3A_319 : vector<16xf32> to vector<16xf32>
    %swap3A_321 = vector.shape_cast %broadcast_in_dim3A_6 : vector<16xf32> to vector<16xf32>
    tpu.vector_store %arg4[%swap3A_318], %swap3A_321 {strides = array<i32>} : memref<3472xf32, #tpu.memory_space<vmem>>, vector<16xf32>,
    %swap3A_322 = arith.constant 1264 : index
    %swap3A_323 = tpu.vector_load %arg4[%swap3A_322] {strides = array<i32>} : memref<3472xf32, #tpu.memory_space<vmem>>, vector<16xf32>,
    %swap3A_324 = vector.shape_cast %swap3A_323 : vector<16xf32> to vector<16xf32>
    %swap3A_325 = vector.shape_cast %broadcast_in_dim3A_6 : vector<16xf32> to vector<16xf32>
    tpu.vector_store %arg4[%swap3A_322], %swap3A_325 {strides = array<i32>} : memref<3472xf32, #tpu.memory_space<vmem>>, vector<16xf32>,
    %swap3A_326 = arith.constant 1280 : index
    %swap3A_327 = tpu.vector_load %arg4[%swap3A_326] {strides = array<i32>} : memref<3472xf32, #tpu.memory_space<vmem>>, vector<16xf32>,
    %swap3A_328 = vector.shape_cast %swap3A_327 : vector<16xf32> to vector<16xf32>
    %swap3A_329 = vector.shape_cast %broadcast_in_dim3A_6 : vector<16xf32> to vector<16xf32>
    tpu.vector_store %arg4[%swap3A_326], %swap3A_329 {strides = array<i32>} : memref<3472xf32, #tpu.memory_space<vmem>>, vector<16xf32>,
    %swap3A_330 = arith.constant 1296 : index
    %swap3A_331 = tpu.vector_load %arg4[%swap3A_330] {strides = array<i32>} : memref<3472xf32, #tpu.memory_space<vmem>>, vector<16xf32>,
    %swap3A_332 = vector.shape_cast %swap3A_331 : vector<16xf32> to vector<16xf32>
    %swap3A_333 = vector.shape_cast %broadcast_in_dim3A_6 : vector<16xf32> to vector<16xf32>
    tpu.vector_store %arg4[%swap3A_330], %swap3A_333 {strides = array<i32>} : memref<3472xf32, #tpu.memory_space<vmem>>, vector<16xf32>,
    %swap3A_334 = arith.constant 1312 : index
    %swap3A_335 = tpu.vector_load %arg4[%swap3A_334] {strides = array<i32>} : memref<3472xf32, #tpu.memory_space<vmem>>, vector<16xf32>,
    %swap3A_336 = vector.shape_cast %swap3A_335 : vector<16xf32> to vector<16xf32>
    %swap3A_337 = vector.shape_cast %broadcast_in_dim3A_6 : vector<16xf32> to vector<16xf32>
    tpu.vector_store %arg4[%swap3A_334], %swap3A_337 {strides = array<i32>} : memref<3472xf32, #tpu.memory_space<vmem>>, vector<16xf32>,
    %swap3A_338 = arith.constant 1328 : index
    %swap3A_339 = tpu.vector_load %arg4[%swap3A_338] {strides = array<i32>} : memref<3472xf32, #tpu.memory_space<vmem>>, vector<16xf32>,
    %swap3A_340 = vector.shape_cast %swap3A_339 : vector<16xf32> to vector<16xf32>
    %swap3A_341 = vector.shape_cast %broadcast_in_dim3A_6 : vector<16xf32> to vector<16xf32>
    tpu.vector_store %arg4[%swap3A_338], %swap3A_341 {strides = array<i32>} : memref<3472xf32, #tpu.memory_space<vmem>>, vector<16xf32>,
    %swap3A_342 = arith.constant 1344 : index
    %swap3A_343 = tpu.vector_load %arg4[%swap3A_342] {strides = array<i32>} : memref<3472xf32, #tpu.memory_space<vmem>>, vector<16xf32>,
    %swap3A_344 = vector.shape_cast %swap3A_343 : vector<16xf32> to vector<16xf32>
    %swap3A_345 = vector.shape_cast %broadcast_in_dim3A_6 : vector<16xf32> to vector<16xf32>
    tpu.vector_store %arg4[%swap3A_342], %swap3A_345 {strides = array<i32>} : memref<3472xf32, #tpu.memory_space<vmem>>, vector<16xf32>,
    %swap3A_346 = arith.constant 1360 : index
    %swap3A_347 = tpu.vector_load %arg4[%swap3A_346] {strides = array<i32>} : memref<3472xf32, #tpu.memory_space<vmem>>, vector<16xf32>,
    %swap3A_348 = vector.shape_cast %swap3A_347 : vector<16xf32> to vector<16xf32>
    %swap3A_349 = vector.shape_cast %broadcast_in_dim3A_6 : vector<16xf32> to vector<16xf32>
    tpu.vector_store %arg4[%swap3A_346], %swap3A_349 {strides = array<i32>} : memref<3472xf32, #tpu.memory_space<vmem>>, vector<16xf32>,
    %swap3A_350 = arith.constant 1376 : index
    %swap3A_351 = tpu.vector_load %arg4[%swap3A_350] {strides = array<i32>} : memref<3472xf32, #tpu.memory_space<vmem>>, vector<16xf32>,
    %swap3A_352 = vector.shape_cast %swap3A_351 : vector<16xf32> to vector<16xf32>
    %swap3A_353 = vector.shape_cast %broadcast_in_dim3A_6 : vector<16xf32> to vector<16xf32>
    tpu.vector_store %arg4[%swap3A_350], %swap3A_353 {strides = array<i32>} : memref<3472xf32, #tpu.memory_space<vmem>>, vector<16xf32>,
    %swap3A_354 = arith.constant 1392 : index
    %swap3A_355 = tpu.vector_load %arg4[%swap3A_354] {strides = array<i32>} : memref<3472xf32, #tpu.memory_space<vmem>>, vector<16xf32>,
    %swap3A_356 = vector.shape_cast %swap3A_355 : vector<16xf32> to vector<16xf32>
    %swap3A_357 = vector.shape_cast %broadcast_in_dim3A_6 : vector<16xf32> to vector<16xf32>
    tpu.vector_store %arg4[%swap3A_354], %swap3A_357 {strides = array<i32>} : memref<3472xf32, #tpu.memory_space<vmem>>, vector<16xf32>,
    %swap3A_358 = arith.constant 1408 : index
    %swap3A_359 = tpu.vector_load %arg4[%swap3A_358] {strides = array<i32>} : memref<3472xf32, #tpu.memory_space<vmem>>, vector<16xf32>,
    %swap3A_360 = vector.shape_cast %swap3A_359 : vector<16xf32> to vector<16xf32>
    %swap3A_361 = vector.shape_cast %broadcast_in_dim3A_6 : vector<16xf32> to vector<16xf32>
    tpu.vector_store %arg4[%swap3A_358], %swap3A_361 {strides = array<i32>} : memref<3472xf32, #tpu.memory_space<vmem>>, vector<16xf32>,
    %swap3A_362 = arith.constant 1424 : index
    %swap3A_363 = tpu.vector_load %arg4[%swap3A_362] {strides = array<i32>} : memref<3472xf32, #tpu.memory_space<vmem>>, vector<16xf32>,
    %swap3A_364 = vector.shape_cast %swap3A_363 : vector<16xf32> to vector<16xf32>
    %swap3A_365 = vector.shape_cast %broadcast_in_dim3A_6 : vector<16xf32> to vector<16xf32>
    tpu.vector_store %arg4[%swap3A_362], %swap3A_365 {strides = array<i32>} : memref<3472xf32, #tpu.memory_space<vmem>>, vector<16xf32>,
    %swap3A_366 = arith.constant 1440 : index
    %swap3A_367 = tpu.vector_load %arg4[%swap3A_366] {strides = array<i32>} : memref<3472xf32, #tpu.memory_space<vmem>>, vector<16xf32>,
    %swap3A_368 = vector.shape_cast %swap3A_367 : vector<16xf32> to vector<16xf32>
    %swap3A_369 = vector.shape_cast %broadcast_in_dim3A_6 : vector<16xf32> to vector<16xf32>
    tpu.vector_store %arg4[%swap3A_366], %swap3A_369 {strides = array<i32>} : memref<3472xf32, #tpu.memory_space<vmem>>, vector<16xf32>,
    %swap3A_370 = arith.constant 1456 : index
    %swap3A_371 = tpu.vector_load %arg4[%swap3A_370] {strides = array<i32>} : memref<3472xf32, #tpu.memory_space<vmem>>, vector<16xf32>,
    %swap3A_372 = vector.shape_cast %swap3A_371 : vector<16xf32> to vector<16xf32>
    %swap3A_373 = vector.shape_cast %broadcast_in_dim3A_6 : vector<16xf32> to vector<16xf32>
    tpu.vector_store %arg4[%swap3A_370], %swap3A_373 {strides = array<i32>} : memref<3472xf32, #tpu.memory_space<vmem>>, vector<16xf32>,
    %swap3A_374 = arith.constant 1472 : index
    %swap3A_375 = tpu.vector_load %arg4[%swap3A_374] {strides = array<i32>} : memref<3472xf32, #tpu.memory_space<vmem>>, vector<16xf32>,
    %swap3A_376 = vector.shape_cast %swap3A_375 : vector<16xf32> to vector<16xf32>
    %swap3A_377 = vector.shape_cast %broadcast_in_dim3A_6 : vector<16xf32> to vector<16xf32>
    tpu.vector_store %arg4[%swap3A_374], %swap3A_377 {strides = array<i32>} : memref<3472xf32, #tpu.memory_space<vmem>>, vector<16xf32>,
    %swap3A_378 = arith.constant 1488 : index
    %swap3A_379 = tpu.vector_load %arg4[%swap3A_378] {strides = array<i32>} : memref<3472xf32, #tpu.memory_space<vmem>>, vector<16xf32>,
    %swap3A_380 = vector.shape_cast %swap3A_379 : vector<16xf32> to vector<16xf32>
    %swap3A_381 = vector.shape_cast %broadcast_in_dim3A_6 : vector<16xf32> to vector<16xf32>
    tpu.vector_store %arg4[%swap3A_378], %swap3A_381 {strides = array<i32>} : memref<3472xf32, #tpu.memory_space<vmem>>, vector<16xf32>,
    %swap3A_382 = arith.constant 1504 : index
    %swap3A_383 = tpu.vector_load %arg4[%swap3A_382] {strides = array<i32>} : memref<3472xf32, #tpu.memory_space<vmem>>, vector<16xf32>,
    %swap3A_384 = vector.shape_cast %swap3A_383 : vector<16xf32> to vector<16xf32>
    %swap3A_385 = vector.shape_cast %broadcast_in_dim3A_6 : vector<16xf32> to vector<16xf32>
    tpu.vector_store %arg4[%swap3A_382], %swap3A_385 {strides = array<i32>} : memref<3472xf32, #tpu.memory_space<vmem>>, vector<16xf32>,
    %swap3A_386 = arith.constant 1520 : index
    %swap3A_387 = tpu.vector_load %arg4[%swap3A_386] {strides = array<i32>} : memref<3472xf32, #tpu.memory_space<vmem>>, vector<16xf32>,
    %swap3A_388 = vector.shape_cast %swap3A_387 : vector<16xf32> to vector<16xf32>
    %swap3A_389 = vector.shape_cast %broadcast_in_dim3A_6 : vector<16xf32> to vector<16xf32>
    tpu.vector_store %arg4[%swap3A_386], %swap3A_389 {strides = array<i32>} : memref<3472xf32, #tpu.memory_space<vmem>>, vector<16xf32>,
    %swap3A_390 = arith.constant 1536 : index
    %swap3A_391 = tpu.vector_load %arg4[%swap3A_390] {strides = array<i32>} : memref<3472xf32, #tpu.memory_space<vmem>>, vector<16xf32>,
    %swap3A_392 = vector.shape_cast %swap3A_391 : vector<16xf32> to vector<16xf32>
    %swap3A_393 = vector.shape_cast %broadcast_in_dim3A_6 : vector<16xf32> to vector<16xf32>
    tpu.vector_store %arg4[%swap3A_390], %swap3A_393 {strides = array<i32>} : memref<3472xf32, #tpu.memory_space<vmem>>, vector<16xf32>,
    %swap3A_394 = arith.constant 1552 : index
    %swap3A_395 = tpu.vector_load %arg4[%swap3A_394] {strides = array<i32>} : memref<3472xf32, #tpu.memory_space<vmem>>, vector<16xf32>,
    %swap3A_396 = vector.shape_cast %swap3A_395 : vector<16xf32> to vector<16xf32>
    %swap3A_397 = vector.shape_cast %broadcast_in_dim3A_6 : vector<16xf32> to vector<16xf32>
    tpu.vector_store %arg4[%swap3A_394], %swap3A_397 {strides = array<i32>} : memref<3472xf32, #tpu.memory_space<vmem>>, vector<16xf32>,
    %swap3A_398 = arith.constant 1568 : index
    %swap3A_399 = tpu.vector_load %arg4[%swap3A_398] {strides = array<i32>} : memref<3472xf32, #tpu.memory_space<vmem>>, vector<16xf32>,
    %swap3A_400 = vector.shape_cast %swap3A_399 : vector<16xf32> to vector<16xf32>
    %swap3A_401 = vector.shape_cast %broadcast_in_dim3A_6 : vector<16xf32> to vector<16xf32>
    tpu.vector_store %arg4[%swap3A_398], %swap3A_401 {strides = array<i32>} : memref<3472xf32, #tpu.memory_space<vmem>>, vector<16xf32>,
    %swap3A_402 = arith.constant 1584 : index
    %swap3A_403 = tpu.vector_load %arg4[%swap3A_402] {strides = array<i32>} : memref<3472xf32, #tpu.memory_space<vmem>>, vector<16xf32>,
    %swap3A_404 = vector.shape_cast %swap3A_403 : vector<16xf32> to vector<16xf32>
    %swap3A_405 = vector.shape_cast %broadcast_in_dim3A_6 : vector<16xf32> to vector<16xf32>
    tpu.vector_store %arg4[%swap3A_402], %swap3A_405 {strides = array<i32>} : memref<3472xf32, #tpu.memory_space<vmem>>, vector<16xf32>,
    %swap3A_406 = arith.constant 1600 : index
    %swap3A_407 = tpu.vector_load %arg4[%swap3A_406] {strides = array<i32>} : memref<3472xf32, #tpu.memory_space<vmem>>, vector<16xf32>,
    %swap3A_408 = vector.shape_cast %swap3A_407 : vector<16xf32> to vector<16xf32>
    %swap3A_409 = vector.shape_cast %broadcast_in_dim3A_6 : vector<16xf32> to vector<16xf32>
    tpu.vector_store %arg4[%swap3A_406], %swap3A_409 {strides = array<i32>} : memref<3472xf32, #tpu.memory_space<vmem>>, vector<16xf32>,
    %swap3A_410 = arith.constant 1616 : index
    %swap3A_411 = tpu.vector_load %arg4[%swap3A_410] {strides = array<i32>} : memref<3472xf32, #tpu.memory_space<vmem>>, vector<16xf32>,
    %swap3A_412 = vector.shape_cast %swap3A_411 : vector<16xf32> to vector<16xf32>
    %swap3A_413 = vector.shape_cast %broadcast_in_dim3A_6 : vector<16xf32> to vector<16xf32>
    tpu.vector_store %arg4[%swap3A_410], %swap3A_413 {strides = array<i32>} : memref<3472xf32, #tpu.memory_space<vmem>>, vector<16xf32>,
    %swap3A_414 = arith.constant 1632 : index
    %swap3A_415 = tpu.vector_load %arg4[%swap3A_414] {strides = array<i32>} : memref<3472xf32, #tpu.memory_space<vmem>>, vector<16xf32>,
    %swap3A_416 = vector.shape_cast %swap3A_415 : vector<16xf32> to vector<16xf32>
    %swap3A_417 = vector.shape_cast %broadcast_in_dim3A_6 : vector<16xf32> to vector<16xf32>
    tpu.vector_store %arg4[%swap3A_414], %swap3A_417 {strides = array<i32>} : memref<3472xf32, #tpu.memory_space<vmem>>, vector<16xf32>,
    %swap3A_418 = arith.constant 1648 : index
    %swap3A_419 = tpu.vector_load %arg4[%swap3A_418] {strides = array<i32>} : memref<3472xf32, #tpu.memory_space<vmem>>, vector<16xf32>,
    %swap3A_420 = vector.shape_cast %swap3A_419 : vector<16xf32> to vector<16xf32>
    %swap3A_421 = vector.shape_cast %broadcast_in_dim3A_6 : vector<16xf32> to vector<16xf32>
    tpu.vector_store %arg4[%swap3A_418], %swap3A_421 {strides = array<i32>} : memref<3472xf32, #tpu.memory_space<vmem>>, vector<16xf32>,
    %swap3A_422 = arith.constant 1664 : index
    %swap3A_423 = tpu.vector_load %arg4[%swap3A_422] {strides = array<i32>} : memref<3472xf32, #tpu.memory_space<vmem>>, vector<16xf32>,
    %swap3A_424 = vector.shape_cast %swap3A_423 : vector<16xf32> to vector<16xf32>
    %swap3A_425 = vector.shape_cast %broadcast_in_dim3A_6 : vector<16xf32> to vector<16xf32>
    tpu.vector_store %arg4[%swap3A_422], %swap3A_425 {strides = array<i32>} : memref<3472xf32, #tpu.memory_space<vmem>>, vector<16xf32>,
    %swap3A_426 = arith.constant 1680 : index
    %swap3A_427 = tpu.vector_load %arg4[%swap3A_426] {strides = array<i32>} : memref<3472xf32, #tpu.memory_space<vmem>>, vector<16xf32>,
    %swap3A_428 = vector.shape_cast %swap3A_427 : vector<16xf32> to vector<16xf32>
    %swap3A_429 = vector.shape_cast %broadcast_in_dim3A_6 : vector<16xf32> to vector<16xf32>
    tpu.vector_store %arg4[%swap3A_426], %swap3A_429 {strides = array<i32>} : memref<3472xf32, #tpu.memory_space<vmem>>, vector<16xf32>,
    %swap3A_430 = arith.constant 1696 : index
    %swap3A_431 = tpu.vector_load %arg4[%swap3A_430] {strides = array<i32>} : memref<3472xf32, #tpu.memory_space<vmem>>, vector<16xf32>,
    %swap3A_432 = vector.shape_cast %swap3A_431 : vector<16xf32> to vector<16xf32>
    %swap3A_433 = vector.shape_cast %broadcast_in_dim3A_6 : vector<16xf32> to vector<16xf32>
    tpu.vector_store %arg4[%swap3A_430], %swap3A_433 {strides = array<i32>} : memref<3472xf32, #tpu.memory_space<vmem>>, vector<16xf32>,
    %swap3A_434 = arith.constant 1712 : index
    %swap3A_435 = tpu.vector_load %arg4[%swap3A_434] {strides = array<i32>} : memref<3472xf32, #tpu.memory_space<vmem>>, vector<16xf32>,
    %swap3A_436 = vector.shape_cast %swap3A_435 : vector<16xf32> to vector<16xf32>
    %swap3A_437 = vector.shape_cast %broadcast_in_dim3A_6 : vector<16xf32> to vector<16xf32>
    tpu.vector_store %arg4[%swap3A_434], %swap3A_437 {strides = array<i32>} : memref<3472xf32, #tpu.memory_space<vmem>>, vector<16xf32>,
    %swap3A_438 = arith.constant 1728 : index
    %swap3A_439 = tpu.vector_load %arg4[%swap3A_438] {strides = array<i32>} : memref<3472xf32, #tpu.memory_space<vmem>>, vector<16xf32>,
    %swap3A_440 = vector.shape_cast %swap3A_439 : vector<16xf32> to vector<16xf32>
    %swap3A_441 = vector.shape_cast %broadcast_in_dim3A_6 : vector<16xf32> to vector<16xf32>
    tpu.vector_store %arg4[%swap3A_438], %swap3A_441 {strides = array<i32>} : memref<3472xf32, #tpu.memory_space<vmem>>, vector<16xf32>,
    %swap3A_442 = arith.constant 1744 : index
    %swap3A_443 = tpu.vector_load %arg4[%swap3A_442] {strides = array<i32>} : memref<3472xf32, #tpu.memory_space<vmem>>, vector<16xf32>,
    %swap3A_444 = vector.shape_cast %swap3A_443 : vector<16xf32> to vector<16xf32>
    %swap3A_445 = vector.shape_cast %broadcast_in_dim3A_6 : vector<16xf32> to vector<16xf32>
    tpu.vector_store %arg4[%swap3A_442], %swap3A_445 {strides = array<i32>} : memref<3472xf32, #tpu.memory_space<vmem>>, vector<16xf32>,
    %swap3A_446 = arith.constant 1760 : index
    %swap3A_447 = tpu.vector_load %arg4[%swap3A_446] {strides = array<i32>} : memref<3472xf32, #tpu.memory_space<vmem>>, vector<16xf32>,
    %swap3A_448 = vector.shape_cast %swap3A_447 : vector<16xf32> to vector<16xf32>
    %swap3A_449 = vector.shape_cast %broadcast_in_dim3A_6 : vector<16xf32> to vector<16xf32>
    tpu.vector_store %arg4[%swap3A_446], %swap3A_449 {strides = array<i32>} : memref<3472xf32, #tpu.memory_space<vmem>>, vector<16xf32>,
    %swap3A_450 = arith.constant 1776 : index
    %swap3A_451 = tpu.vector_load %arg4[%swap3A_450] {strides = array<i32>} : memref<3472xf32, #tpu.memory_space<vmem>>, vector<16xf32>,
    %swap3A_452 = vector.shape_cast %swap3A_451 : vector<16xf32> to vector<16xf32>
    %swap3A_453 = vector.shape_cast %broadcast_in_dim3A_6 : vector<16xf32> to vector<16xf32>
    tpu.vector_store %arg4[%swap3A_450], %swap3A_453 {strides = array<i32>} : memref<3472xf32, #tpu.memory_space<vmem>>, vector<16xf32>,
    %swap3A_454 = arith.constant 1792 : index
    %swap3A_455 = tpu.vector_load %arg4[%swap3A_454] {strides = array<i32>} : memref<3472xf32, #tpu.memory_space<vmem>>, vector<16xf32>,
    %swap3A_456 = vector.shape_cast %swap3A_455 : vector<16xf32> to vector<16xf32>
    %swap3A_457 = vector.shape_cast %broadcast_in_dim3A_6 : vector<16xf32> to vector<16xf32>
    tpu.vector_store %arg4[%swap3A_454], %swap3A_457 {strides = array<i32>} : memref<3472xf32, #tpu.memory_space<vmem>>, vector<16xf32>,
    %swap3A_458 = arith.constant 1808 : index
    %swap3A_459 = tpu.vector_load %arg4[%swap3A_458] {strides = array<i32>} : memref<3472xf32, #tpu.memory_space<vmem>>, vector<16xf32>,
    %swap3A_460 = vector.shape_cast %swap3A_459 : vector<16xf32> to vector<16xf32>
    %swap3A_461 = vector.shape_cast %broadcast_in_dim3A_6 : vector<16xf32> to vector<16xf32>
    tpu.vector_store %arg4[%swap3A_458], %swap3A_461 {strides = array<i32>} : memref<3472xf32, #tpu.memory_space<vmem>>, vector<16xf32>,
    %swap3A_462 = arith.constant 1824 : index
    %swap3A_463 = tpu.vector_load %arg4[%swap3A_462] {strides = array<i32>} : memref<3472xf32, #tpu.memory_space<vmem>>, vector<16xf32>,
    %swap3A_464 = vector.shape_cast %swap3A_463 : vector<16xf32> to vector<16xf32>
    %swap3A_465 = vector.shape_cast %broadcast_in_dim3A_6 : vector<16xf32> to vector<16xf32>
    tpu.vector_store %arg4[%swap3A_462], %swap3A_465 {strides = array<i32>} : memref<3472xf32, #tpu.memory_space<vmem>>, vector<16xf32>,
    %swap3A_466 = arith.constant 1840 : index
    %swap3A_467 = tpu.vector_load %arg4[%swap3A_466] {strides = array<i32>} : memref<3472xf32, #tpu.memory_space<vmem>>, vector<16xf32>,
    %swap3A_468 = vector.shape_cast %swap3A_467 : vector<16xf32> to vector<16xf32>
    %swap3A_469 = vector.shape_cast %broadcast_in_dim3A_6 : vector<16xf32> to vector<16xf32>
    tpu.vector_store %arg4[%swap3A_466], %swap3A_469 {strides = array<i32>} : memref<3472xf32, #tpu.memory_space<vmem>>, vector<16xf32>,
    %swap3A_470 = arith.constant 1856 : index
    %swap3A_471 = tpu.vector_load %arg4[%swap3A_470] {strides = array<i32>} : memref<3472xf32, #tpu.memory_space<vmem>>, vector<16xf32>,
    %swap3A_472 = vector.shape_cast %swap3A_471 : vector<16xf32> to vector<16xf32>
    %swap3A_473 = vector.shape_cast %broadcast_in_dim3A_6 : vector<16xf32> to vector<16xf32>
    tpu.vector_store %arg4[%swap3A_470], %swap3A_473 {strides = array<i32>} : memref<3472xf32, #tpu.memory_space<vmem>>, vector<16xf32>,
    %swap3A_474 = arith.constant 1872 : index
    %swap3A_475 = tpu.vector_load %arg4[%swap3A_474] {strides = array<i32>} : memref<3472xf32, #tpu.memory_space<vmem>>, vector<16xf32>,
    %swap3A_476 = vector.shape_cast %swap3A_475 : vector<16xf32> to vector<16xf32>
    %swap3A_477 = vector.shape_cast %broadcast_in_dim3A_6 : vector<16xf32> to vector<16xf32>
    tpu.vector_store %arg4[%swap3A_474], %swap3A_477 {strides = array<i32>} : memref<3472xf32, #tpu.memory_space<vmem>>, vector<16xf32>,
    %swap3A_478 = arith.constant 1888 : index
    %swap3A_479 = tpu.vector_load %arg4[%swap3A_478] {strides = array<i32>} : memref<3472xf32, #tpu.memory_space<vmem>>, vector<16xf32>,
    %swap3A_480 = vector.shape_cast %swap3A_479 : vector<16xf32> to vector<16xf32>
    %swap3A_481 = vector.shape_cast %broadcast_in_dim3A_6 : vector<16xf32> to vector<16xf32>
    tpu.vector_store %arg4[%swap3A_478], %swap3A_481 {strides = array<i32>} : memref<3472xf32, #tpu.memory_space<vmem>>, vector<16xf32>,
    %swap3A_482 = arith.constant 1904 : index
    %swap3A_483 = tpu.vector_load %arg4[%swap3A_482] {strides = array<i32>} : memref<3472xf32, #tpu.memory_space<vmem>>, vector<16xf32>,
    %swap3A_484 = vector.shape_cast %swap3A_483 : vector<16xf32> to vector<16xf32>
    %swap3A_485 = vector.shape_cast %broadcast_in_dim3A_6 : vector<16xf32> to vector<16xf32>
    tpu.vector_store %arg4[%swap3A_482], %swap3A_485 {strides = array<i32>} : memref<3472xf32, #tpu.memory_space<vmem>>, vector<16xf32>,
    %swap3A_486 = arith.constant 1920 : index
    %swap3A_487 = tpu.vector_load %arg4[%swap3A_486] {strides = array<i32>} : memref<3472xf32, #tpu.memory_space<vmem>>, vector<16xf32>,
    %swap3A_488 = vector.shape_cast %swap3A_487 : vector<16xf32> to vector<16xf32>
    %swap3A_489 = vector.shape_cast %broadcast_in_dim3A_6 : vector<16xf32> to vector<16xf32>
    tpu.vector_store %arg4[%swap3A_486], %swap3A_489 {strides = array<i32>} : memref<3472xf32, #tpu.memory_space<vmem>>, vector<16xf32>,
    %swap3A_490 = arith.constant 1936 : index
    %swap3A_491 = tpu.vector_load %arg4[%swap3A_490] {strides = array<i32>} : memref<3472xf32, #tpu.memory_space<vmem>>, vector<16xf32>,
    %swap3A_492 = vector.shape_cast %swap3A_491 : vector<16xf32> to vector<16xf32>
    %swap3A_493 = vector.shape_cast %broadcast_in_dim3A_6 : vector<16xf32> to vector<16xf32>
    tpu.vector_store %arg4[%swap3A_490], %swap3A_493 {strides = array<i32>} : memref<3472xf32, #tpu.memory_space<vmem>>, vector<16xf32>,
    %swap3A_494 = arith.constant 1952 : index
    %swap3A_495 = tpu.vector_load %arg4[%swap3A_494] {strides = array<i32>} : memref<3472xf32, #tpu.memory_space<vmem>>, vector<16xf32>,
    %swap3A_496 = vector.shape_cast %swap3A_495 : vector<16xf32> to vector<16xf32>
    %swap3A_497 = vector.shape_cast %broadcast_in_dim3A_6 : vector<16xf32> to vector<16xf32>
    tpu.vector_store %arg4[%swap3A_494], %swap3A_497 {strides = array<i32>} : memref<3472xf32, #tpu.memory_space<vmem>>, vector<16xf32>,
    %swap3A_498 = arith.constant 1968 : index
    %swap3A_499 = tpu.vector_load %arg4[%swap3A_498] {strides = array<i32>} : memref<3472xf32, #tpu.memory_space<vmem>>, vector<16xf32>,
    %swap3A_500 = vector.shape_cast %swap3A_499 : vector<16xf32> to vector<16xf32>
    %swap3A_501 = vector.shape_cast %broadcast_in_dim3A_6 : vector<16xf32> to vector<16xf32>
    tpu.vector_store %arg4[%swap3A_498], %swap3A_501 {strides = array<i32>} : memref<3472xf32, #tpu.memory_space<vmem>>, vector<16xf32>,
    %swap3A_502 = arith.constant 1984 : index
    %swap3A_503 = tpu.vector_load %arg4[%swap3A_502] {strides = array<i32>} : memref<3472xf32, #tpu.memory_space<vmem>>, vector<16xf32>,
    %swap3A_504 = vector.shape_cast %swap3A_503 : vector<16xf32> to vector<16xf32>
    %swap3A_505 = vector.shape_cast %broadcast_in_dim3A_6 : vector<16xf32> to vector<16xf32>
    tpu.vector_store %arg4[%swap3A_502], %swap3A_505 {strides = array<i32>} : memref<3472xf32, #tpu.memory_space<vmem>>, vector<16xf32>,
    %swap3A_506 = arith.constant 2000 : index
    %swap3A_507 = tpu.vector_load %arg4[%swap3A_506] {strides = array<i32>} : memref<3472xf32, #tpu.memory_space<vmem>>, vector<16xf32>,
    %swap3A_508 = vector.shape_cast %swap3A_507 : vector<16xf32> to vector<16xf32>
    %swap3A_509 = vector.shape_cast %broadcast_in_dim3A_6 : vector<16xf32> to vector<16xf32>
    tpu.vector_store %arg4[%swap3A_506], %swap3A_509 {strides = array<i32>} : memref<3472xf32, #tpu.memory_space<vmem>>, vector<16xf32>,
    %swap3A_510 = arith.constant 2016 : index
    %swap3A_511 = tpu.vector_load %arg4[%swap3A_510] {strides = array<i32>} : memref<3472xf32, #tpu.memory_space<vmem>>, vector<16xf32>,
    %swap3A_512 = vector.shape_cast %swap3A_511 : vector<16xf32> to vector<16xf32>
    %swap3A_513 = vector.shape_cast %broadcast_in_dim3A_6 : vector<16xf32> to vector<16xf32>
    tpu.vector_store %arg4[%swap3A_510], %swap3A_513 {strides = array<i32>} : memref<3472xf32, #tpu.memory_space<vmem>>, vector<16xf32>,
    %swap3A_514 = arith.constant 2032 : index
    %swap3A_515 = tpu.vector_load %arg4[%swap3A_514] {strides = array<i32>} : memref<3472xf32, #tpu.memory_space<vmem>>, vector<16xf32>,
    %swap3A_516 = vector.shape_cast %swap3A_515 : vector<16xf32> to vector<16xf32>
    %swap3A_517 = vector.shape_cast %broadcast_in_dim3A_6 : vector<16xf32> to vector<16xf32>
    tpu.vector_store %arg4[%swap3A_514], %swap3A_517 {strides = array<i32>} : memref<3472xf32, #tpu.memory_space<vmem>>, vector<16xf32>,
    %swap3A_518 = arith.constant 2048 : index
    %swap3A_519 = tpu.vector_load %arg4[%swap3A_518] {strides = array<i32>} : memref<3472xf32, #tpu.memory_space<vmem>>, vector<16xf32>,
    %swap3A_520 = vector.shape_cast %swap3A_519 : vector<16xf32> to vector<16xf32>
    %swap3A_521 = vector.shape_cast %broadcast_in_dim3A_6 : vector<16xf32> to vector<16xf32>
    tpu.vector_store %arg4[%swap3A_518], %swap3A_521 {strides = array<i32>} : memref<3472xf32, #tpu.memory_space<vmem>>, vector<16xf32>,
    %swap3A_522 = arith.constant 2064 : index
    %swap3A_523 = tpu.vector_load %arg4[%swap3A_522] {strides = array<i32>} : memref<3472xf32, #tpu.memory_space<vmem>>, vector<16xf32>,
    %swap3A_524 = vector.shape_cast %swap3A_523 : vector<16xf32> to vector<16xf32>
    %swap3A_525 = vector.shape_cast %broadcast_in_dim3A_6 : vector<16xf32> to vector<16xf32>
    tpu.vector_store %arg4[%swap3A_522], %swap3A_525 {strides = array<i32>} : memref<3472xf32, #tpu.memory_space<vmem>>, vector<16xf32>,
    %swap3A_526 = arith.constant 2080 : index
    %swap3A_527 = tpu.vector_load %arg4[%swap3A_526] {strides = array<i32>} : memref<3472xf32, #tpu.memory_space<vmem>>, vector<16xf32>,
    %swap3A_528 = vector.shape_cast %swap3A_527 : vector<16xf32> to vector<16xf32>
    %swap3A_529 = vector.shape_cast %broadcast_in_dim3A_6 : vector<16xf32> to vector<16xf32>
    tpu.vector_store %arg4[%swap3A_526], %swap3A_529 {strides = array<i32>} : memref<3472xf32, #tpu.memory_space<vmem>>, vector<16xf32>,
    %swap3A_530 = arith.constant 2096 : index
    %swap3A_531 = tpu.vector_load %arg4[%swap3A_530] {strides = array<i32>} : memref<3472xf32, #tpu.memory_space<vmem>>, vector<16xf32>,
    %swap3A_532 = vector.shape_cast %swap3A_531 : vector<16xf32> to vector<16xf32>
    %swap3A_533 = vector.shape_cast %broadcast_in_dim3A_6 : vector<16xf32> to vector<16xf32>
    tpu.vector_store %arg4[%swap3A_530], %swap3A_533 {strides = array<i32>} : memref<3472xf32, #tpu.memory_space<vmem>>, vector<16xf32>,
    %swap3A_534 = arith.constant 2112 : index
    %swap3A_535 = tpu.vector_load %arg4[%swap3A_534] {strides = array<i32>} : memref<3472xf32, #tpu.memory_space<vmem>>, vector<16xf32>,
    %swap3A_536 = vector.shape_cast %swap3A_535 : vector<16xf32> to vector<16xf32>
    %swap3A_537 = vector.shape_cast %broadcast_in_dim3A_6 : vector<16xf32> to vector<16xf32>
    tpu.vector_store %arg4[%swap3A_534], %swap3A_537 {strides = array<i32>} : memref<3472xf32, #tpu.memory_space<vmem>>, vector<16xf32>,
    %swap3A_538 = arith.constant 2128 : index
    %swap3A_539 = tpu.vector_load %arg4[%swap3A_538] {strides = array<i32>} : memref<3472xf32, #tpu.memory_space<vmem>>, vector<16xf32>,
    %swap3A_540 = vector.shape_cast %swap3A_539 : vector<16xf32> to vector<16xf32>
    %swap3A_541 = vector.shape_cast %broadcast_in_dim3A_6 : vector<16xf32> to vector<16xf32>
    tpu.vector_store %arg4[%swap3A_538], %swap3A_541 {strides = array<i32>} : memref<3472xf32, #tpu.memory_space<vmem>>, vector<16xf32>,
    %swap3A_542 = arith.constant 2144 : index
    %swap3A_543 = tpu.vector_load %arg4[%swap3A_542] {strides = array<i32>} : memref<3472xf32, #tpu.memory_space<vmem>>, vector<16xf32>,
    %swap3A_544 = vector.shape_cast %swap3A_543 : vector<16xf32> to vector<16xf32>
    %swap3A_545 = vector.shape_cast %broadcast_in_dim3A_6 : vector<16xf32> to vector<16xf32>
    tpu.vector_store %arg4[%swap3A_542], %swap3A_545 {strides = array<i32>} : memref<3472xf32, #tpu.memory_space<vmem>>, vector<16xf32>,
    %swap3A_546 = arith.constant 2160 : index
    %swap3A_547 = tpu.vector_load %arg4[%swap3A_546] {strides = array<i32>} : memref<3472xf32, #tpu.memory_space<vmem>>, vector<16xf32>,
    %swap3A_548 = vector.shape_cast %swap3A_547 : vector<16xf32> to vector<16xf32>
    %swap3A_549 = vector.shape_cast %broadcast_in_dim3A_6 : vector<16xf32> to vector<16xf32>
    tpu.vector_store %arg4[%swap3A_546], %swap3A_549 {strides = array<i32>} : memref<3472xf32, #tpu.memory_space<vmem>>, vector<16xf32>,
    %swap3A_550 = arith.constant 2176 : index
    %swap3A_551 = tpu.vector_load %arg4[%swap3A_550] {strides = array<i32>} : memref<3472xf32, #tpu.memory_space<vmem>>, vector<16xf32>,
    %swap3A_552 = vector.shape_cast %swap3A_551 : vector<16xf32> to vector<16xf32>
    %swap3A_553 = vector.shape_cast %broadcast_in_dim3A_6 : vector<16xf32> to vector<16xf32>
    tpu.vector_store %arg4[%swap3A_550], %swap3A_553 {strides = array<i32>} : memref<3472xf32, #tpu.memory_space<vmem>>, vector<16xf32>,
    %swap3A_554 = arith.constant 2192 : index
    %swap3A_555 = tpu.vector_load %arg4[%swap3A_554] {strides = array<i32>} : memref<3472xf32, #tpu.memory_space<vmem>>, vector<16xf32>,
    %swap3A_556 = vector.shape_cast %swap3A_555 : vector<16xf32> to vector<16xf32>
    %swap3A_557 = vector.shape_cast %broadcast_in_dim3A_6 : vector<16xf32> to vector<16xf32>
    tpu.vector_store %arg4[%swap3A_554], %swap3A_557 {strides = array<i32>} : memref<3472xf32, #tpu.memory_space<vmem>>, vector<16xf32>,
    %swap3A_558 = arith.constant 2208 : index
    %swap3A_559 = tpu.vector_load %arg4[%swap3A_558] {strides = array<i32>} : memref<3472xf32, #tpu.memory_space<vmem>>, vector<16xf32>,
    %swap3A_560 = vector.shape_cast %swap3A_559 : vector<16xf32> to vector<16xf32>
    %swap3A_561 = vector.shape_cast %broadcast_in_dim3A_6 : vector<16xf32> to vector<16xf32>
    tpu.vector_store %arg4[%swap3A_558], %swap3A_561 {strides = array<i32>} : memref<3472xf32, #tpu.memory_space<vmem>>, vector<16xf32>,
    %swap3A_562 = arith.constant 2224 : index
    %swap3A_563 = tpu.vector_load %arg4[%swap3A_562] {strides = array<i32>} : memref<3472xf32, #tpu.memory_space<vmem>>, vector<16xf32>,
    %swap3A_564 = vector.shape_cast %swap3A_563 : vector<16xf32> to vector<16xf32>
    %swap3A_565 = vector.shape_cast %broadcast_in_dim3A_6 : vector<16xf32> to vector<16xf32>
    tpu.vector_store %arg4[%swap3A_562], %swap3A_565 {strides = array<i32>} : memref<3472xf32, #tpu.memory_space<vmem>>, vector<16xf32>,
    %swap3A_566 = arith.constant 2240 : index
    %swap3A_567 = tpu.vector_load %arg4[%swap3A_566] {strides = array<i32>} : memref<3472xf32, #tpu.memory_space<vmem>>, vector<16xf32>,
    %swap3A_568 = vector.shape_cast %swap3A_567 : vector<16xf32> to vector<16xf32>
    %swap3A_569 = vector.shape_cast %broadcast_in_dim3A_6 : vector<16xf32> to vector<16xf32>
    tpu.vector_store %arg4[%swap3A_566], %swap3A_569 {strides = array<i32>} : memref<3472xf32, #tpu.memory_space<vmem>>, vector<16xf32>,
    %swap3A_570 = arith.constant 2256 : index
    %swap3A_571 = tpu.vector_load %arg4[%swap3A_570] {strides = array<i32>} : memref<3472xf32, #tpu.memory_space<vmem>>, vector<16xf32>,
    %swap3A_572 = vector.shape_cast %swap3A_571 : vector<16xf32> to vector<16xf32>
    %swap3A_573 = vector.shape_cast %broadcast_in_dim3A_6 : vector<16xf32> to vector<16xf32>
    tpu.vector_store %arg4[%swap3A_570], %swap3A_573 {strides = array<i32>} : memref<3472xf32, #tpu.memory_space<vmem>>, vector<16xf32>,
    %swap3A_574 = arith.constant 2272 : index
    %swap3A_575 = tpu.vector_load %arg4[%swap3A_574] {strides = array<i32>} : memref<3472xf32, #tpu.memory_space<vmem>>, vector<16xf32>,
    %swap3A_576 = vector.shape_cast %swap3A_575 : vector<16xf32> to vector<16xf32>
    %swap3A_577 = vector.shape_cast %broadcast_in_dim3A_6 : vector<16xf32> to vector<16xf32>
    tpu.vector_store %arg4[%swap3A_574], %swap3A_577 {strides = array<i32>} : memref<3472xf32, #tpu.memory_space<vmem>>, vector<16xf32>,
    %swap3A_578 = arith.constant 2288 : index
    %swap3A_579 = tpu.vector_load %arg4[%swap3A_578] {strides = array<i32>} : memref<3472xf32, #tpu.memory_space<vmem>>, vector<16xf32>,
    %swap3A_580 = vector.shape_cast %swap3A_579 : vector<16xf32> to vector<16xf32>
    %swap3A_581 = vector.shape_cast %broadcast_in_dim3A_6 : vector<16xf32> to vector<16xf32>
    tpu.vector_store %arg4[%swap3A_578], %swap3A_581 {strides = array<i32>} : memref<3472xf32, #tpu.memory_space<vmem>>, vector<16xf32>,
    %swap3A_582 = arith.constant 2304 : index
    %swap3A_583 = tpu.vector_load %arg4[%swap3A_582] {strides = array<i32>} : memref<3472xf32, #tpu.memory_space<vmem>>, vector<16xf32>,
    %swap3A_584 = vector.shape_cast %swap3A_583 : vector<16xf32> to vector<16xf32>
    %swap3A_585 = vector.shape_cast %broadcast_in_dim3A_6 : vector<16xf32> to vector<16xf32>
    tpu.vector_store %arg4[%swap3A_582], %swap3A_585 {strides = array<i32>} : memref<3472xf32, #tpu.memory_space<vmem>>, vector<16xf32>,
    %swap3A_586 = arith.constant 2320 : index
    %swap3A_587 = tpu.vector_load %arg4[%swap3A_586] {strides = array<i32>} : memref<3472xf32, #tpu.memory_space<vmem>>, vector<16xf32>,
    %swap3A_588 = vector.shape_cast %swap3A_587 : vector<16xf32> to vector<16xf32>
    %swap3A_589 = vector.shape_cast %broadcast_in_dim3A_6 : vector<16xf32> to vector<16xf32>
    tpu.vector_store %arg4[%swap3A_586], %swap3A_589 {strides = array<i32>} : memref<3472xf32, #tpu.memory_space<vmem>>, vector<16xf32>,
    %swap3A_590 = arith.constant 2336 : index
    %swap3A_591 = tpu.vector_load %arg4[%swap3A_590] {strides = array<i32>} : memref<3472xf32, #tpu.memory_space<vmem>>, vector<16xf32>,
    %swap3A_592 = vector.shape_cast %swap3A_591 : vector<16xf32> to vector<16xf32>
    %swap3A_593 = vector.shape_cast %broadcast_in_dim3A_6 : vector<16xf32> to vector<16xf32>
    tpu.vector_store %arg4[%swap3A_590], %swap3A_593 {strides = array<i32>} : memref<3472xf32, #tpu.memory_space<vmem>>, vector<16xf32>,
    %swap3A_594 = arith.constant 2352 : index
    %swap3A_595 = tpu.vector_load %arg4[%swap3A_594] {strides = array<i32>} : memref<3472xf32, #tpu.memory_space<vmem>>, vector<16xf32>,
    %swap3A_596 = vector.shape_cast %swap3A_595 : vector<16xf32> to vector<16xf32>
    %swap3A_597 = vector.shape_cast %broadcast_in_dim3A_6 : vector<16xf32> to vector<16xf32>
    tpu.vector_store %arg4[%swap3A_594], %swap3A_597 {strides = array<i32>} : memref<3472xf32, #tpu.memory_space<vmem>>, vector<16xf32>,
    %swap3A_598 = arith.constant 2368 : index
    %swap3A_599 = tpu.vector_load %arg4[%swap3A_598] {strides = array<i32>} : memref<3472xf32, #tpu.memory_space<vmem>>, vector<16xf32>,
    %swap3A_600 = vector.shape_cast %swap3A_599 : vector<16xf32> to vector<16xf32>
    %swap3A_601 = vector.shape_cast %broadcast_in_dim3A_6 : vector<16xf32> to vector<16xf32>
    tpu.vector_store %arg4[%swap3A_598], %swap3A_601 {strides = array<i32>} : memref<3472xf32, #tpu.memory_space<vmem>>, vector<16xf32>,
    %swap3A_602 = arith.constant 2384 : index
    %swap3A_603 = tpu.vector_load %arg4[%swap3A_602] {strides = array<i32>} : memref<3472xf32, #tpu.memory_space<vmem>>, vector<16xf32>,
    %swap3A_604 = vector.shape_cast %swap3A_603 : vector<16xf32> to vector<16xf32>
    %swap3A_605 = vector.shape_cast %broadcast_in_dim3A_6 : vector<16xf32> to vector<16xf32>
    tpu.vector_store %arg4[%swap3A_602], %swap3A_605 {strides = array<i32>} : memref<3472xf32, #tpu.memory_space<vmem>>, vector<16xf32>,
    %swap3A_606 = arith.constant 2400 : index
    %swap3A_607 = tpu.vector_load %arg4[%swap3A_606] {strides = array<i32>} : memref<3472xf32, #tpu.memory_space<vmem>>, vector<16xf32>,
    %swap3A_608 = vector.shape_cast %swap3A_607 : vector<16xf32> to vector<16xf32>
    %swap3A_609 = vector.shape_cast %broadcast_in_dim3A_6 : vector<16xf32> to vector<16xf32>
    tpu.vector_store %arg4[%swap3A_606], %swap3A_609 {strides = array<i32>} : memref<3472xf32, #tpu.memory_space<vmem>>, vector<16xf32>,
    %swap3A_610 = arith.constant 2416 : index
    %swap3A_611 = tpu.vector_load %arg4[%swap3A_610] {strides = array<i32>} : memref<3472xf32, #tpu.memory_space<vmem>>, vector<16xf32>,
    %swap3A_612 = vector.shape_cast %swap3A_611 : vector<16xf32> to vector<16xf32>
    %swap3A_613 = vector.shape_cast %broadcast_in_dim3A_6 : vector<16xf32> to vector<16xf32>
    tpu.vector_store %arg4[%swap3A_610], %swap3A_613 {strides = array<i32>} : memref<3472xf32, #tpu.memory_space<vmem>>, vector<16xf32>,
    %swap3A_614 = arith.constant 2432 : index
    %swap3A_615 = tpu.vector_load %arg4[%swap3A_614] {strides = array<i32>} : memref<3472xf32, #tpu.memory_space<vmem>>, vector<16xf32>,
    %swap3A_616 = vector.shape_cast %swap3A_615 : vector<16xf32> to vector<16xf32>
    %swap3A_617 = vector.shape_cast %broadcast_in_dim3A_6 : vector<16xf32> to vector<16xf32>
    tpu.vector_store %arg4[%swap3A_614], %swap3A_617 {strides = array<i32>} : memref<3472xf32, #tpu.memory_space<vmem>>, vector<16xf32>,
    %swap3A_618 = arith.constant 2448 : index
    %swap3A_619 = tpu.vector_load %arg4[%swap3A_618] {strides = array<i32>} : memref<3472xf32, #tpu.memory_space<vmem>>, vector<16xf32>,
    %swap3A_620 = vector.shape_cast %swap3A_619 : vector<16xf32> to vector<16xf32>
    %swap3A_621 = vector.shape_cast %broadcast_in_dim3A_6 : vector<16xf32> to vector<16xf32>
    tpu.vector_store %arg4[%swap3A_618], %swap3A_621 {strides = array<i32>} : memref<3472xf32, #tpu.memory_space<vmem>>, vector<16xf32>,
    %swap3A_622 = arith.constant 2464 : index
    %swap3A_623 = tpu.vector_load %arg4[%swap3A_622] {strides = array<i32>} : memref<3472xf32, #tpu.memory_space<vmem>>, vector<16xf32>,
    %swap3A_624 = vector.shape_cast %swap3A_623 : vector<16xf32> to vector<16xf32>
    %swap3A_625 = vector.shape_cast %broadcast_in_dim3A_6 : vector<16xf32> to vector<16xf32>
    tpu.vector_store %arg4[%swap3A_622], %swap3A_625 {strides = array<i32>} : memref<3472xf32, #tpu.memory_space<vmem>>, vector<16xf32>,
    %swap3A_626 = arith.constant 2480 : index
    %swap3A_627 = tpu.vector_load %arg4[%swap3A_626] {strides = array<i32>} : memref<3472xf32, #tpu.memory_space<vmem>>, vector<16xf32>,
    %swap3A_628 = vector.shape_cast %swap3A_627 : vector<16xf32> to vector<16xf32>
    %swap3A_629 = vector.shape_cast %broadcast_in_dim3A_6 : vector<16xf32> to vector<16xf32>
    tpu.vector_store %arg4[%swap3A_626], %swap3A_629 {strides = array<i32>} : memref<3472xf32, #tpu.memory_space<vmem>>, vector<16xf32>,
    %swap3A_630 = arith.constant 2496 : index
    %swap3A_631 = tpu.vector_load %arg4[%swap3A_630] {strides = array<i32>} : memref<3472xf32, #tpu.memory_space<vmem>>, vector<16xf32>,
    %swap3A_632 = vector.shape_cast %swap3A_631 : vector<16xf32> to vector<16xf32>
    %swap3A_633 = vector.shape_cast %broadcast_in_dim3A_6 : vector<16xf32> to vector<16xf32>
    tpu.vector_store %arg4[%swap3A_630], %swap3A_633 {strides = array<i32>} : memref<3472xf32, #tpu.memory_space<vmem>>, vector<16xf32>,
    %swap3A_634 = arith.constant 2512 : index
    %swap3A_635 = tpu.vector_load %arg4[%swap3A_634] {strides = array<i32>} : memref<3472xf32, #tpu.memory_space<vmem>>, vector<16xf32>,
    %swap3A_636 = vector.shape_cast %swap3A_635 : vector<16xf32> to vector<16xf32>
    %swap3A_637 = vector.shape_cast %broadcast_in_dim3A_6 : vector<16xf32> to vector<16xf32>
    tpu.vector_store %arg4[%swap3A_634], %swap3A_637 {strides = array<i32>} : memref<3472xf32, #tpu.memory_space<vmem>>, vector<16xf32>,
    %swap3A_638 = arith.constant 2528 : index
    %swap3A_639 = tpu.vector_load %arg4[%swap3A_638] {strides = array<i32>} : memref<3472xf32, #tpu.memory_space<vmem>>, vector<16xf32>,
    %swap3A_640 = vector.shape_cast %swap3A_639 : vector<16xf32> to vector<16xf32>
    %swap3A_641 = vector.shape_cast %broadcast_in_dim3A_6 : vector<16xf32> to vector<16xf32>
    tpu.vector_store %arg4[%swap3A_638], %swap3A_641 {strides = array<i32>} : memref<3472xf32, #tpu.memory_space<vmem>>, vector<16xf32>,
    %swap3A_642 = arith.constant 2544 : index
    %swap3A_643 = tpu.vector_load %arg4[%swap3A_642] {strides = array<i32>} : memref<3472xf32, #tpu.memory_space<vmem>>, vector<16xf32>,
    %swap3A_644 = vector.shape_cast %swap3A_643 : vector<16xf32> to vector<16xf32>
    %swap3A_645 = vector.shape_cast %broadcast_in_dim3A_6 : vector<16xf32> to vector<16xf32>
    tpu.vector_store %arg4[%swap3A_642], %swap3A_645 {strides = array<i32>} : memref<3472xf32, #tpu.memory_space<vmem>>, vector<16xf32>,
    %swap3A_646 = arith.constant 2560 : index
    %swap3A_647 = tpu.vector_load %arg4[%swap3A_646] {strides = array<i32>} : memref<3472xf32, #tpu.memory_space<vmem>>, vector<16xf32>,
    %swap3A_648 = vector.shape_cast %swap3A_647 : vector<16xf32> to vector<16xf32>
    %swap3A_649 = vector.shape_cast %broadcast_in_dim3A_6 : vector<16xf32> to vector<16xf32>
    tpu.vector_store %arg4[%swap3A_646], %swap3A_649 {strides = array<i32>} : memref<3472xf32, #tpu.memory_space<vmem>>, vector<16xf32>,
    %swap3A_650 = arith.constant 2576 : index
    %swap3A_651 = tpu.vector_load %arg4[%swap3A_650] {strides = array<i32>} : memref<3472xf32, #tpu.memory_space<vmem>>, vector<16xf32>,
    %swap3A_652 = vector.shape_cast %swap3A_651 : vector<16xf32> to vector<16xf32>
    %swap3A_653 = vector.shape_cast %broadcast_in_dim3A_6 : vector<16xf32> to vector<16xf32>
    tpu.vector_store %arg4[%swap3A_650], %swap3A_653 {strides = array<i32>} : memref<3472xf32, #tpu.memory_space<vmem>>, vector<16xf32>,
    %swap3A_654 = arith.constant 2592 : index
    %swap3A_655 = tpu.vector_load %arg4[%swap3A_654] {strides = array<i32>} : memref<3472xf32, #tpu.memory_space<vmem>>, vector<16xf32>,
    %swap3A_656 = vector.shape_cast %swap3A_655 : vector<16xf32> to vector<16xf32>
    %swap3A_657 = vector.shape_cast %broadcast_in_dim3A_6 : vector<16xf32> to vector<16xf32>
    tpu.vector_store %arg4[%swap3A_654], %swap3A_657 {strides = array<i32>} : memref<3472xf32, #tpu.memory_space<vmem>>, vector<16xf32>,
    %swap3A_658 = arith.constant 2608 : index
    %swap3A_659 = tpu.vector_load %arg4[%swap3A_658] {strides = array<i32>} : memref<3472xf32, #tpu.memory_space<vmem>>, vector<16xf32>,
    %swap3A_660 = vector.shape_cast %swap3A_659 : vector<16xf32> to vector<16xf32>
    %swap3A_661 = vector.shape_cast %broadcast_in_dim3A_6 : vector<16xf32> to vector<16xf32>
    tpu.vector_store %arg4[%swap3A_658], %swap3A_661 {strides = array<i32>} : memref<3472xf32, #tpu.memory_space<vmem>>, vector<16xf32>,
    %swap3A_662 = arith.constant 2624 : index
    %swap3A_663 = tpu.vector_load %arg4[%swap3A_662] {strides = array<i32>} : memref<3472xf32, #tpu.memory_space<vmem>>, vector<16xf32>,
    %swap3A_664 = vector.shape_cast %swap3A_663 : vector<16xf32> to vector<16xf32>
    %swap3A_665 = vector.shape_cast %broadcast_in_dim3A_6 : vector<16xf32> to vector<16xf32>
    tpu.vector_store %arg4[%swap3A_662], %swap3A_665 {strides = array<i32>} : memref<3472xf32, #tpu.memory_space<vmem>>, vector<16xf32>,
    %swap3A_666 = arith.constant 2640 : index
    %swap3A_667 = tpu.vector_load %arg4[%swap3A_666] {strides = array<i32>} : memref<3472xf32, #tpu.memory_space<vmem>>, vector<16xf32>,
    %swap3A_668 = vector.shape_cast %swap3A_667 : vector<16xf32> to vector<16xf32>
    %swap3A_669 = vector.shape_cast %broadcast_in_dim3A_6 : vector<16xf32> to vector<16xf32>
    tpu.vector_store %arg4[%swap3A_666], %swap3A_669 {strides = array<i32>} : memref<3472xf32, #tpu.memory_space<vmem>>, vector<16xf32>,
    %swap3A_670 = arith.constant 2656 : index
    %swap3A_671 = tpu.vector_load %arg4[%swap3A_670] {strides = array<i32>} : memref<3472xf32, #tpu.memory_space<vmem>>, vector<16xf32>,
    %swap3A_672 = vector.shape_cast %swap3A_671 : vector<16xf32> to vector<16xf32>
    %swap3A_673 = vector.shape_cast %broadcast_in_dim3A_6 : vector<16xf32> to vector<16xf32>
    tpu.vector_store %arg4[%swap3A_670], %swap3A_673 {strides = array<i32>} : memref<3472xf32, #tpu.memory_space<vmem>>, vector<16xf32>,
    %swap3A_674 = arith.constant 2672 : index
    %swap3A_675 = tpu.vector_load %arg4[%swap3A_674] {strides = array<i32>} : memref<3472xf32, #tpu.memory_space<vmem>>, vector<16xf32>,
    %swap3A_676 = vector.shape_cast %swap3A_675 : vector<16xf32> to vector<16xf32>
    %swap3A_677 = vector.shape_cast %broadcast_in_dim3A_6 : vector<16xf32> to vector<16xf32>
    tpu.vector_store %arg4[%swap3A_674], %swap3A_677 {strides = array<i32>} : memref<3472xf32, #tpu.memory_space<vmem>>, vector<16xf32>,
    %swap3A_678 = arith.constant 2688 : index
    %swap3A_679 = tpu.vector_load %arg4[%swap3A_678] {strides = array<i32>} : memref<3472xf32, #tpu.memory_space<vmem>>, vector<16xf32>,
    %swap3A_680 = vector.shape_cast %swap3A_679 : vector<16xf32> to vector<16xf32>
    %swap3A_681 = vector.shape_cast %broadcast_in_dim3A_6 : vector<16xf32> to vector<16xf32>
    tpu.vector_store %arg4[%swap3A_678], %swap3A_681 {strides = array<i32>} : memref<3472xf32, #tpu.memory_space<vmem>>, vector<16xf32>,
    %swap3A_682 = arith.constant 2704 : index
    %swap3A_683 = tpu.vector_load %arg4[%swap3A_682] {strides = array<i32>} : memref<3472xf32, #tpu.memory_space<vmem>>, vector<16xf32>,
    %swap3A_684 = vector.shape_cast %swap3A_683 : vector<16xf32> to vector<16xf32>
    %swap3A_685 = vector.shape_cast %broadcast_in_dim3A_6 : vector<16xf32> to vector<16xf32>
    tpu.vector_store %arg4[%swap3A_682], %swap3A_685 {strides = array<i32>} : memref<3472xf32, #tpu.memory_space<vmem>>, vector<16xf32>,
    %swap3A_686 = arith.constant 2720 : index
    %swap3A_687 = tpu.vector_load %arg4[%swap3A_686] {strides = array<i32>} : memref<3472xf32, #tpu.memory_space<vmem>>, vector<16xf32>,
    %swap3A_688 = vector.shape_cast %swap3A_687 : vector<16xf32> to vector<16xf32>
    %swap3A_689 = vector.shape_cast %broadcast_in_dim3A_6 : vector<16xf32> to vector<16xf32>
    tpu.vector_store %arg4[%swap3A_686], %swap3A_689 {strides = array<i32>} : memref<3472xf32, #tpu.memory_space<vmem>>, vector<16xf32>,
    %swap3A_690 = arith.constant 2736 : index
    %swap3A_691 = tpu.vector_load %arg4[%swap3A_690] {strides = array<i32>} : memref<3472xf32, #tpu.memory_space<vmem>>, vector<16xf32>,
    %swap3A_692 = vector.shape_cast %swap3A_691 : vector<16xf32> to vector<16xf32>
    %swap3A_693 = vector.shape_cast %broadcast_in_dim3A_6 : vector<16xf32> to vector<16xf32>
    tpu.vector_store %arg4[%swap3A_690], %swap3A_693 {strides = array<i32>} : memref<3472xf32, #tpu.memory_space<vmem>>, vector<16xf32>,
    %swap3A_694 = arith.constant 2752 : index
    %swap3A_695 = tpu.vector_load %arg4[%swap3A_694] {strides = array<i32>} : memref<3472xf32, #tpu.memory_space<vmem>>, vector<16xf32>,
    %swap3A_696 = vector.shape_cast %swap3A_695 : vector<16xf32> to vector<16xf32>
    %swap3A_697 = vector.shape_cast %broadcast_in_dim3A_6 : vector<16xf32> to vector<16xf32>
    tpu.vector_store %arg4[%swap3A_694], %swap3A_697 {strides = array<i32>} : memref<3472xf32, #tpu.memory_space<vmem>>, vector<16xf32>,
    %swap3A_698 = arith.constant 2768 : index
    %swap3A_699 = tpu.vector_load %arg4[%swap3A_698] {strides = array<i32>} : memref<3472xf32, #tpu.memory_space<vmem>>, vector<16xf32>,
    %swap3A_700 = vector.shape_cast %swap3A_699 : vector<16xf32> to vector<16xf32>
    %swap3A_701 = vector.shape_cast %broadcast_in_dim3A_6 : vector<16xf32> to vector<16xf32>
    tpu.vector_store %arg4[%swap3A_698], %swap3A_701 {strides = array<i32>} : memref<3472xf32, #tpu.memory_space<vmem>>, vector<16xf32>,
    %swap3A_702 = arith.constant 2784 : index
    %swap3A_703 = tpu.vector_load %arg4[%swap3A_702] {strides = array<i32>} : memref<3472xf32, #tpu.memory_space<vmem>>, vector<16xf32>,
    %swap3A_704 = vector.shape_cast %swap3A_703 : vector<16xf32> to vector<16xf32>
    %swap3A_705 = vector.shape_cast %broadcast_in_dim3A_6 : vector<16xf32> to vector<16xf32>
    tpu.vector_store %arg4[%swap3A_702], %swap3A_705 {strides = array<i32>} : memref<3472xf32, #tpu.memory_space<vmem>>, vector<16xf32>,
    %swap3A_706 = arith.constant 2800 : index
    %swap3A_707 = tpu.vector_load %arg4[%swap3A_706] {strides = array<i32>} : memref<3472xf32, #tpu.memory_space<vmem>>, vector<16xf32>,
    %swap3A_708 = vector.shape_cast %swap3A_707 : vector<16xf32> to vector<16xf32>
    %swap3A_709 = vector.shape_cast %broadcast_in_dim3A_6 : vector<16xf32> to vector<16xf32>
    tpu.vector_store %arg4[%swap3A_706], %swap3A_709 {strides = array<i32>} : memref<3472xf32, #tpu.memory_space<vmem>>, vector<16xf32>,
    %swap3A_710 = arith.constant 2816 : index
    %swap3A_711 = tpu.vector_load %arg4[%swap3A_710] {strides = array<i32>} : memref<3472xf32, #tpu.memory_space<vmem>>, vector<16xf32>,
    %swap3A_712 = vector.shape_cast %swap3A_711 : vector<16xf32> to vector<16xf32>
    %swap3A_713 = vector.shape_cast %broadcast_in_dim3A_6 : vector<16xf32> to vector<16xf32>
    tpu.vector_store %arg4[%swap3A_710], %swap3A_713 {strides = array<i32>} : memref<3472xf32, #tpu.memory_space<vmem>>, vector<16xf32>,
    %swap3A_714 = arith.constant 2832 : index
    %swap3A_715 = tpu.vector_load %arg4[%swap3A_714] {strides = array<i32>} : memref<3472xf32, #tpu.memory_space<vmem>>, vector<16xf32>,
    %swap3A_716 = vector.shape_cast %swap3A_715 : vector<16xf32> to vector<16xf32>
    %swap3A_717 = vector.shape_cast %broadcast_in_dim3A_6 : vector<16xf32> to vector<16xf32>
    tpu.vector_store %arg4[%swap3A_714], %swap3A_717 {strides = array<i32>} : memref<3472xf32, #tpu.memory_space<vmem>>, vector<16xf32>,
    %swap3A_718 = arith.constant 2848 : index
    %swap3A_719 = tpu.vector_load %arg4[%swap3A_718] {strides = array<i32>} : memref<3472xf32, #tpu.memory_space<vmem>>, vector<16xf32>,
    %swap3A_720 = vector.shape_cast %swap3A_719 : vector<16xf32> to vector<16xf32>
    %swap3A_721 = vector.shape_cast %broadcast_in_dim3A_6 : vector<16xf32> to vector<16xf32>
    tpu.vector_store %arg4[%swap3A_718], %swap3A_721 {strides = array<i32>} : memref<3472xf32, #tpu.memory_space<vmem>>, vector<16xf32>,
    %swap3A_722 = arith.constant 2864 : index
    %swap3A_723 = tpu.vector_load %arg4[%swap3A_722] {strides = array<i32>} : memref<3472xf32, #tpu.memory_space<vmem>>, vector<16xf32>,
    %swap3A_724 = vector.shape_cast %swap3A_723 : vector<16xf32> to vector<16xf32>
    %swap3A_725 = vector.shape_cast %broadcast_in_dim3A_6 : vector<16xf32> to vector<16xf32>
    tpu.vector_store %arg4[%swap3A_722], %swap3A_725 {strides = array<i32>} : memref<3472xf32, #tpu.memory_space<vmem>>, vector<16xf32>,
    %swap3A_726 = arith.constant 2880 : index
    %swap3A_727 = tpu.vector_load %arg4[%swap3A_726] {strides = array<i32>} : memref<3472xf32, #tpu.memory_space<vmem>>, vector<16xf32>,
    %swap3A_728 = vector.shape_cast %swap3A_727 : vector<16xf32> to vector<16xf32>
    %swap3A_729 = vector.shape_cast %broadcast_in_dim3A_6 : vector<16xf32> to vector<16xf32>
    tpu.vector_store %arg4[%swap3A_726], %swap3A_729 {strides = array<i32>} : memref<3472xf32, #tpu.memory_space<vmem>>, vector<16xf32>,
    %swap3A_730 = arith.constant 2896 : index
    %swap3A_731 = tpu.vector_load %arg4[%swap3A_730] {strides = array<i32>} : memref<3472xf32, #tpu.memory_space<vmem>>, vector<16xf32>,
    %swap3A_732 = vector.shape_cast %swap3A_731 : vector<16xf32> to vector<16xf32>
    %swap3A_733 = vector.shape_cast %broadcast_in_dim3A_6 : vector<16xf32> to vector<16xf32>
    tpu.vector_store %arg4[%swap3A_730], %swap3A_733 {strides = array<i32>} : memref<3472xf32, #tpu.memory_space<vmem>>, vector<16xf32>,
    %swap3A_734 = arith.constant 2912 : index
    %swap3A_735 = tpu.vector_load %arg4[%swap3A_734] {strides = array<i32>} : memref<3472xf32, #tpu.memory_space<vmem>>, vector<16xf32>,
    %swap3A_736 = vector.shape_cast %swap3A_735 : vector<16xf32> to vector<16xf32>
    %swap3A_737 = vector.shape_cast %broadcast_in_dim3A_6 : vector<16xf32> to vector<16xf32>
    tpu.vector_store %arg4[%swap3A_734], %swap3A_737 {strides = array<i32>} : memref<3472xf32, #tpu.memory_space<vmem>>, vector<16xf32>,
    %swap3A_738 = arith.constant 2928 : index
    %swap3A_739 = tpu.vector_load %arg4[%swap3A_738] {strides = array<i32>} : memref<3472xf32, #tpu.memory_space<vmem>>, vector<16xf32>,
    %swap3A_740 = vector.shape_cast %swap3A_739 : vector<16xf32> to vector<16xf32>
    %swap3A_741 = vector.shape_cast %broadcast_in_dim3A_6 : vector<16xf32> to vector<16xf32>
    tpu.vector_store %arg4[%swap3A_738], %swap3A_741 {strides = array<i32>} : memref<3472xf32, #tpu.memory_space<vmem>>, vector<16xf32>,
    %swap3A_742 = arith.constant 2944 : index
    %swap3A_743 = tpu.vector_load %arg4[%swap3A_742] {strides = array<i32>} : memref<3472xf32, #tpu.memory_space<vmem>>, vector<16xf32>,
    %swap3A_744 = vector.shape_cast %swap3A_743 : vector<16xf32> to vector<16xf32>
    %swap3A_745 = vector.shape_cast %broadcast_in_dim3A_6 : vector<16xf32> to vector<16xf32>
    tpu.vector_store %arg4[%swap3A_742], %swap3A_745 {strides = array<i32>} : memref<3472xf32, #tpu.memory_space<vmem>>, vector<16xf32>,
    %swap3A_746 = arith.constant 2960 : index
    %swap3A_747 = tpu.vector_load %arg4[%swap3A_746] {strides = array<i32>} : memref<3472xf32, #tpu.memory_space<vmem>>, vector<16xf32>,
    %swap3A_748 = vector.shape_cast %swap3A_747 : vector<16xf32> to vector<16xf32>
    %swap3A_749 = vector.shape_cast %broadcast_in_dim3A_6 : vector<16xf32> to vector<16xf32>
    tpu.vector_store %arg4[%swap3A_746], %swap3A_749 {strides = array<i32>} : memref<3472xf32, #tpu.memory_space<vmem>>, vector<16xf32>,
    %swap3A_750 = arith.constant 2976 : index
    %swap3A_751 = tpu.vector_load %arg4[%swap3A_750] {strides = array<i32>} : memref<3472xf32, #tpu.memory_space<vmem>>, vector<16xf32>,
    %swap3A_752 = vector.shape_cast %swap3A_751 : vector<16xf32> to vector<16xf32>
    %swap3A_753 = vector.shape_cast %broadcast_in_dim3A_6 : vector<16xf32> to vector<16xf32>
    tpu.vector_store %arg4[%swap3A_750], %swap3A_753 {strides = array<i32>} : memref<3472xf32, #tpu.memory_space<vmem>>, vector<16xf32>,
    %swap3A_754 = arith.constant 2992 : index
    %swap3A_755 = tpu.vector_load %arg4[%swap3A_754] {strides = array<i32>} : memref<3472xf32, #tpu.memory_space<vmem>>, vector<16xf32>,
    %swap3A_756 = vector.shape_cast %swap3A_755 : vector<16xf32> to vector<16xf32>
    %swap3A_757 = vector.shape_cast %broadcast_in_dim3A_6 : vector<16xf32> to vector<16xf32>
    tpu.vector_store %arg4[%swap3A_754], %swap3A_757 {strides = array<i32>} : memref<3472xf32, #tpu.memory_space<vmem>>, vector<16xf32>,
    %swap3A_758 = arith.constant 3008 : index
    %swap3A_759 = tpu.vector_load %arg4[%swap3A_758] {strides = array<i32>} : memref<3472xf32, #tpu.memory_space<vmem>>, vector<16xf32>,
    %swap3A_760 = vector.shape_cast %swap3A_759 : vector<16xf32> to vector<16xf32>
    %swap3A_761 = vector.shape_cast %broadcast_in_dim3A_6 : vector<16xf32> to vector<16xf32>
    tpu.vector_store %arg4[%swap3A_758], %swap3A_761 {strides = array<i32>} : memref<3472xf32, #tpu.memory_space<vmem>>, vector<16xf32>,
    %swap3A_762 = arith.constant 3024 : index
    %swap3A_763 = tpu.vector_load %arg4[%swap3A_762] {strides = array<i32>} : memref<3472xf32, #tpu.memory_space<vmem>>, vector<16xf32>,
    %swap3A_764 = vector.shape_cast %swap3A_763 : vector<16xf32> to vector<16xf32>
    %swap3A_765 = vector.shape_cast %broadcast_in_dim3A_6 : vector<16xf32> to vector<16xf32>
    tpu.vector_store %arg4[%swap3A_762], %swap3A_765 {strides = array<i32>} : memref<3472xf32, #tpu.memory_space<vmem>>, vector<16xf32>,
    %swap3A_766 = arith.constant 3040 : index
    %swap3A_767 = tpu.vector_load %arg4[%swap3A_766] {strides = array<i32>} : memref<3472xf32, #tpu.memory_space<vmem>>, vector<16xf32>,
    %swap3A_768 = vector.shape_cast %swap3A_767 : vector<16xf32> to vector<16xf32>
    %swap3A_769 = vector.shape_cast %broadcast_in_dim3A_6 : vector<16xf32> to vector<16xf32>
    tpu.vector_store %arg4[%swap3A_766], %swap3A_769 {strides = array<i32>} : memref<3472xf32, #tpu.memory_space<vmem>>, vector<16xf32>,
    %swap3A_770 = arith.constant 3056 : index
    %swap3A_771 = tpu.vector_load %arg4[%swap3A_770] {strides = array<i32>} : memref<3472xf32, #tpu.memory_space<vmem>>, vector<16xf32>,
    %swap3A_772 = vector.shape_cast %swap3A_771 : vector<16xf32> to vector<16xf32>
    %swap3A_773 = vector.shape_cast %broadcast_in_dim3A_6 : vector<16xf32> to vector<16xf32>
    tpu.vector_store %arg4[%swap3A_770], %swap3A_773 {strides = array<i32>} : memref<3472xf32, #tpu.memory_space<vmem>>, vector<16xf32>,
    %swap3A_774 = arith.constant 3072 : index
    %swap3A_775 = tpu.vector_load %arg4[%swap3A_774] {strides = array<i32>} : memref<3472xf32, #tpu.memory_space<vmem>>, vector<16xf32>,
    %swap3A_776 = vector.shape_cast %swap3A_775 : vector<16xf32> to vector<16xf32>
    %swap3A_777 = vector.shape_cast %broadcast_in_dim3A_6 : vector<16xf32> to vector<16xf32>
    tpu.vector_store %arg4[%swap3A_774], %swap3A_777 {strides = array<i32>} : memref<3472xf32, #tpu.memory_space<vmem>>, vector<16xf32>,
    %swap3A_778 = arith.constant 3088 : index
    %swap3A_779 = tpu.vector_load %arg4[%swap3A_778] {strides = array<i32>} : memref<3472xf32, #tpu.memory_space<vmem>>, vector<16xf32>,
    %swap3A_780 = vector.shape_cast %swap3A_779 : vector<16xf32> to vector<16xf32>
    %swap3A_781 = vector.shape_cast %broadcast_in_dim3A_6 : vector<16xf32> to vector<16xf32>
    tpu.vector_store %arg4[%swap3A_778], %swap3A_781 {strides = array<i32>} : memref<3472xf32, #tpu.memory_space<vmem>>, vector<16xf32>,
    %swap3A_782 = arith.constant 3104 : index
    %swap3A_783 = tpu.vector_load %arg4[%swap3A_782] {strides = array<i32>} : memref<3472xf32, #tpu.memory_space<vmem>>, vector<16xf32>,
    %swap3A_784 = vector.shape_cast %swap3A_783 : vector<16xf32> to vector<16xf32>
    %swap3A_785 = vector.shape_cast %broadcast_in_dim3A_6 : vector<16xf32> to vector<16xf32>
    tpu.vector_store %arg4[%swap3A_782], %swap3A_785 {strides = array<i32>} : memref<3472xf32, #tpu.memory_space<vmem>>, vector<16xf32>,
    %swap3A_786 = arith.constant 3120 : index
    %swap3A_787 = tpu.vector_load %arg4[%swap3A_786] {strides = array<i32>} : memref<3472xf32, #tpu.memory_space<vmem>>, vector<16xf32>,
    %swap3A_788 = vector.shape_cast %swap3A_787 : vector<16xf32> to vector<16xf32>
    %swap3A_789 = vector.shape_cast %broadcast_in_dim3A_6 : vector<16xf32> to vector<16xf32>
    tpu.vector_store %arg4[%swap3A_786], %swap3A_789 {strides = array<i32>} : memref<3472xf32, #tpu.memory_space<vmem>>, vector<16xf32>,
    %swap3A_790 = arith.constant 3136 : index
    %swap3A_791 = tpu.vector_load %arg4[%swap3A_790] {strides = array<i32>} : memref<3472xf32, #tpu.memory_space<vmem>>, vector<16xf32>,
    %swap3A_792 = vector.shape_cast %swap3A_791 : vector<16xf32> to vector<16xf32>
    %swap3A_793 = vector.shape_cast %broadcast_in_dim3A_6 : vector<16xf32> to vector<16xf32>
    tpu.vector_store %arg4[%swap3A_790], %swap3A_793 {strides = array<i32>} : memref<3472xf32, #tpu.memory_space<vmem>>, vector<16xf32>,
    %swap3A_794 = arith.constant 3152 : index
    %swap3A_795 = tpu.vector_load %arg4[%swap3A_794] {strides = array<i32>} : memref<3472xf32, #tpu.memory_space<vmem>>, vector<16xf32>,
    %swap3A_796 = vector.shape_cast %swap3A_795 : vector<16xf32> to vector<16xf32>
    %swap3A_797 = vector.shape_cast %broadcast_in_dim3A_6 : vector<16xf32> to vector<16xf32>
    tpu.vector_store %arg4[%swap3A_794], %swap3A_797 {strides = array<i32>} : memref<3472xf32, #tpu.memory_space<vmem>>, vector<16xf32>,
    %swap3A_798 = arith.constant 3168 : index
    %swap3A_799 = tpu.vector_load %arg4[%swap3A_798] {strides = array<i32>} : memref<3472xf32, #tpu.memory_space<vmem>>, vector<16xf32>,
    %swap3A_800 = vector.shape_cast %swap3A_799 : vector<16xf32> to vector<16xf32>
    %swap3A_801 = vector.shape_cast %broadcast_in_dim3A_6 : vector<16xf32> to vector<16xf32>
    tpu.vector_store %arg4[%swap3A_798], %swap3A_801 {strides = array<i32>} : memref<3472xf32, #tpu.memory_space<vmem>>, vector<16xf32>,
    %swap3A_802 = arith.constant 3184 : index
    %swap3A_803 = tpu.vector_load %arg4[%swap3A_802] {strides = array<i32>} : memref<3472xf32, #tpu.memory_space<vmem>>, vector<16xf32>,
    %swap3A_804 = vector.shape_cast %swap3A_803 : vector<16xf32> to vector<16xf32>
    %swap3A_805 = vector.shape_cast %broadcast_in_dim3A_6 : vector<16xf32> to vector<16xf32>
    tpu.vector_store %arg4[%swap3A_802], %swap3A_805 {strides = array<i32>} : memref<3472xf32, #tpu.memory_space<vmem>>, vector<16xf32>,
    %swap3A_806 = arith.constant 3200 : index
    %swap3A_807 = tpu.vector_load %arg4[%swap3A_806] {strides = array<i32>} : memref<3472xf32, #tpu.memory_space<vmem>>, vector<16xf32>,
    %swap3A_808 = vector.shape_cast %swap3A_807 : vector<16xf32> to vector<16xf32>
    %swap3A_809 = vector.shape_cast %broadcast_in_dim3A_6 : vector<16xf32> to vector<16xf32>
    tpu.vector_store %arg4[%swap3A_806], %swap3A_809 {strides = array<i32>} : memref<3472xf32, #tpu.memory_space<vmem>>, vector<16xf32>,
    %swap3A_810 = arith.constant 3216 : index
    %swap3A_811 = tpu.vector_load %arg4[%swap3A_810] {strides = array<i32>} : memref<3472xf32, #tpu.memory_space<vmem>>, vector<16xf32>,
    %swap3A_812 = vector.shape_cast %swap3A_811 : vector<16xf32> to vector<16xf32>
    %swap3A_813 = vector.shape_cast %broadcast_in_dim3A_6 : vector<16xf32> to vector<16xf32>
    tpu.vector_store %arg4[%swap3A_810], %swap3A_813 {strides = array<i32>} : memref<3472xf32, #tpu.memory_space<vmem>>, vector<16xf32>,
    %swap3A_814 = arith.constant 3232 : index
    %swap3A_815 = tpu.vector_load %arg4[%swap3A_814] {strides = array<i32>} : memref<3472xf32, #tpu.memory_space<vmem>>, vector<16xf32>,
    %swap3A_816 = vector.shape_cast %swap3A_815 : vector<16xf32> to vector<16xf32>
    %swap3A_817 = vector.shape_cast %broadcast_in_dim3A_6 : vector<16xf32> to vector<16xf32>
    tpu.vector_store %arg4[%swap3A_814], %swap3A_817 {strides = array<i32>} : memref<3472xf32, #tpu.memory_space<vmem>>, vector<16xf32>,
    %swap3A_818 = arith.constant 3248 : index
    %swap3A_819 = tpu.vector_load %arg4[%swap3A_818] {strides = array<i32>} : memref<3472xf32, #tpu.memory_space<vmem>>, vector<16xf32>,
    %swap3A_820 = vector.shape_cast %swap3A_819 : vector<16xf32> to vector<16xf32>
    %swap3A_821 = vector.shape_cast %broadcast_in_dim3A_6 : vector<16xf32> to vector<16xf32>
    tpu.vector_store %arg4[%swap3A_818], %swap3A_821 {strides = array<i32>} : memref<3472xf32, #tpu.memory_space<vmem>>, vector<16xf32>,
    %swap3A_822 = arith.constant 3264 : index
    %swap3A_823 = tpu.vector_load %arg4[%swap3A_822] {strides = array<i32>} : memref<3472xf32, #tpu.memory_space<vmem>>, vector<16xf32>,
    %swap3A_824 = vector.shape_cast %swap3A_823 : vector<16xf32> to vector<16xf32>
    %swap3A_825 = vector.shape_cast %broadcast_in_dim3A_6 : vector<16xf32> to vector<16xf32>
    tpu.vector_store %arg4[%swap3A_822], %swap3A_825 {strides = array<i32>} : memref<3472xf32, #tpu.memory_space<vmem>>, vector<16xf32>,
    %swap3A_826 = arith.constant 3280 : index
    %swap3A_827 = tpu.vector_load %arg4[%swap3A_826] {strides = array<i32>} : memref<3472xf32, #tpu.memory_space<vmem>>, vector<16xf32>,
    %swap3A_828 = vector.shape_cast %swap3A_827 : vector<16xf32> to vector<16xf32>
    %swap3A_829 = vector.shape_cast %broadcast_in_dim3A_6 : vector<16xf32> to vector<16xf32>
    tpu.vector_store %arg4[%swap3A_826], %swap3A_829 {strides = array<i32>} : memref<3472xf32, #tpu.memory_space<vmem>>, vector<16xf32>,
    %swap3A_830 = arith.constant 3296 : index
    %swap3A_831 = tpu.vector_load %arg4[%swap3A_830] {strides = array<i32>} : memref<3472xf32, #tpu.memory_space<vmem>>, vector<16xf32>,
    %swap3A_832 = vector.shape_cast %swap3A_831 : vector<16xf32> to vector<16xf32>
    %swap3A_833 = vector.shape_cast %broadcast_in_dim3A_6 : vector<16xf32> to vector<16xf32>
    tpu.vector_store %arg4[%swap3A_830], %swap3A_833 {strides = array<i32>} : memref<3472xf32, #tpu.memory_space<vmem>>, vector<16xf32>,
    %swap3A_834 = arith.constant 3312 : index
    %swap3A_835 = tpu.vector_load %arg4[%swap3A_834] {strides = array<i32>} : memref<3472xf32, #tpu.memory_space<vmem>>, vector<16xf32>,
    %swap3A_836 = vector.shape_cast %swap3A_835 : vector<16xf32> to vector<16xf32>
    %swap3A_837 = vector.shape_cast %broadcast_in_dim3A_6 : vector<16xf32> to vector<16xf32>
    tpu.vector_store %arg4[%swap3A_834], %swap3A_837 {strides = array<i32>} : memref<3472xf32, #tpu.memory_space<vmem>>, vector<16xf32>,
    %swap3A_838 = arith.constant 3328 : index
    %swap3A_839 = tpu.vector_load %arg4[%swap3A_838] {strides = array<i32>} : memref<3472xf32, #tpu.memory_space<vmem>>, vector<16xf32>,
    %swap3A_840 = vector.shape_cast %swap3A_839 : vector<16xf32> to vector<16xf32>
    %swap3A_841 = vector.shape_cast %broadcast_in_dim3A_6 : vector<16xf32> to vector<16xf32>
    tpu.vector_store %arg4[%swap3A_838], %swap3A_841 {strides = array<i32>} : memref<3472xf32, #tpu.memory_space<vmem>>, vector<16xf32>,
    %swap3A_842 = arith.constant 3344 : index
    %swap3A_843 = tpu.vector_load %arg4[%swap3A_842] {strides = array<i32>} : memref<3472xf32, #tpu.memory_space<vmem>>, vector<16xf32>,
    %swap3A_844 = vector.shape_cast %swap3A_843 : vector<16xf32> to vector<16xf32>
    %swap3A_845 = vector.shape_cast %broadcast_in_dim3A_6 : vector<16xf32> to vector<16xf32>
    tpu.vector_store %arg4[%swap3A_842], %swap3A_845 {strides = array<i32>} : memref<3472xf32, #tpu.memory_space<vmem>>, vector<16xf32>,
    %swap3A_846 = arith.constant 3360 : index
    %swap3A_847 = tpu.vector_load %arg4[%swap3A_846] {strides = array<i32>} : memref<3472xf32, #tpu.memory_space<vmem>>, vector<16xf32>,
    %swap3A_848 = vector.shape_cast %swap3A_847 : vector<16xf32> to vector<16xf32>
    %swap3A_849 = vector.shape_cast %broadcast_in_dim3A_6 : vector<16xf32> to vector<16xf32>
    tpu.vector_store %arg4[%swap3A_846], %swap3A_849 {strides = array<i32>} : memref<3472xf32, #tpu.memory_space<vmem>>, vector<16xf32>,
    %swap3A_850 = arith.constant 3376 : index
    %swap3A_851 = tpu.vector_load %arg4[%swap3A_850] {strides = array<i32>} : memref<3472xf32, #tpu.memory_space<vmem>>, vector<16xf32>,
    %swap3A_852 = vector.shape_cast %swap3A_851 : vector<16xf32> to vector<16xf32>
    %swap3A_853 = vector.shape_cast %broadcast_in_dim3A_6 : vector<16xf32> to vector<16xf32>
    tpu.vector_store %arg4[%swap3A_850], %swap3A_853 {strides = array<i32>} : memref<3472xf32, #tpu.memory_space<vmem>>, vector<16xf32>,
    %swap3A_854 = arith.constant 3392 : index
    %swap3A_855 = tpu.vector_load %arg4[%swap3A_854] {strides = array<i32>} : memref<3472xf32, #tpu.memory_space<vmem>>, vector<16xf32>,
    %swap3A_856 = vector.shape_cast %swap3A_855 : vector<16xf32> to vector<16xf32>
    %swap3A_857 = vector.shape_cast %broadcast_in_dim3A_6 : vector<16xf32> to vector<16xf32>
    tpu.vector_store %arg4[%swap3A_854], %swap3A_857 {strides = array<i32>} : memref<3472xf32, #tpu.memory_space<vmem>>, vector<16xf32>,
    %swap3A_858 = arith.constant 3408 : index
    %swap3A_859 = tpu.vector_load %arg4[%swap3A_858] {strides = array<i32>} : memref<3472xf32, #tpu.memory_space<vmem>>, vector<16xf32>,
    %swap3A_860 = vector.shape_cast %swap3A_859 : vector<16xf32> to vector<16xf32>
    %swap3A_861 = vector.shape_cast %broadcast_in_dim3A_6 : vector<16xf32> to vector<16xf32>
    tpu.vector_store %arg4[%swap3A_858], %swap3A_861 {strides = array<i32>} : memref<3472xf32, #tpu.memory_space<vmem>>, vector<16xf32>,
    %swap3A_862 = arith.constant 3424 : index
    %swap3A_863 = tpu.vector_load %arg4[%swap3A_862] {strides = array<i32>} : memref<3472xf32, #tpu.memory_space<vmem>>, vector<16xf32>,
    %swap3A_864 = vector.shape_cast %swap3A_863 : vector<16xf32> to vector<16xf32>
    %swap3A_865 = vector.shape_cast %broadcast_in_dim3A_6 : vector<16xf32> to vector<16xf32>
    tpu.vector_store %arg4[%swap3A_862], %swap3A_865 {strides = array<i32>} : memref<3472xf32, #tpu.memory_space<vmem>>, vector<16xf32>,
    %swap3A_866 = arith.constant 3440 : index
    %swap3A_867 = tpu.vector_load %arg4[%swap3A_866] {strides = array<i32>} : memref<3472xf32, #tpu.memory_space<vmem>>, vector<16xf32>,
    %swap3A_868 = vector.shape_cast %swap3A_867 : vector<16xf32> to vector<16xf32>
    %swap3A_869 = vector.shape_cast %broadcast_in_dim3A_6 : vector<16xf32> to vector<16xf32>
    tpu.vector_store %arg4[%swap3A_866], %swap3A_869 {strides = array<i32>} : memref<3472xf32, #tpu.memory_space<vmem>>, vector<16xf32>,
    %swap3A_870 = arith.constant 3456 : index
    %swap3A_871 = tpu.vector_load %arg4[%swap3A_870] {strides = array<i32>} : memref<3472xf32, #tpu.memory_space<vmem>>, vector<16xf32>,
    %swap3A_872 = vector.shape_cast %swap3A_871 : vector<16xf32> to vector<16xf32>
    %swap3A_873 = vector.shape_cast %broadcast_in_dim3A_6 : vector<16xf32> to vector<16xf32>
    tpu.vector_store %arg4[%swap3A_870], %swap3A_873 {strides = array<i32>} : memref<3472xf32, #tpu.memory_space<vmem>>, vector<16xf32>,
    %add3A_874 = arith.constant 0 : i32
    %add3A_875 = arith.addi %mul3A_2, %add3A_874 : i32
    %dma_start3A_876 = tpu.memref_slice %arg3[%add3A_875] : memref<1000000xf32, #tpu.memory_space<hbm>> -> memref<3472xf32, #tpu.memory_space<hbm>>
    %dma_start3A_877 = tpu.memref_slice %arg3[%add3A_875] : memref<1000000xf32, #tpu.memory_space<hbm>> -> memref<3472xf32, #tpu.memory_space<hbm>>
    tpu.enqueue_dma source(%arg4 : memref<3472xf32, #tpu.memory_space<vmem>>) target(%dma_start3A_877 : memref<3472xf32, #tpu.memory_space<hbm>>) target_semaphore(%arg7 : memref<!tpu.dma_semaphore, #tpu.memory_space<semaphore_mem>>)
    %add3A_878 = arith.constant 3472 : i32
    %add3A_879 = arith.addi %mul3A_2, %add3A_878 : i32
    %dma_start3A_880 = tpu.memref_slice %arg3[%add3A_879] : memref<1000000xf32, #tpu.memory_space<hbm>> -> memref<3472xf32, #tpu.memory_space<hbm>>
    %dma_start3A_881 = tpu.memref_slice %arg3[%add3A_879] : memref<1000000xf32, #tpu.memory_space<hbm>> -> memref<3472xf32, #tpu.memory_space<hbm>>
    tpu.enqueue_dma source(%arg4 : memref<3472xf32, #tpu.memory_space<vmem>>) target(%dma_start3A_881 : memref<3472xf32, #tpu.memory_space<hbm>>) target_semaphore(%arg7 : memref<!tpu.dma_semaphore, #tpu.memory_space<semaphore_mem>>)
    %add3A_882 = arith.constant 6944 : i32
    %add3A_883 = arith.addi %mul3A_2, %add3A_882 : i32
    %dma_start3A_884 = tpu.memref_slice %arg3[%add3A_883] : memref<1000000xf32, #tpu.memory_space<hbm>> -> memref<3472xf32, #tpu.memory_space<hbm>>
    %dma_start3A_885 = tpu.memref_slice %arg3[%add3A_883] : memref<1000000xf32, #tpu.memory_space<hbm>> -> memref<3472xf32, #tpu.memory_space<hbm>>
    tpu.enqueue_dma source(%arg4 : memref<3472xf32, #tpu.memory_space<vmem>>) target(%dma_start3A_885 : memref<3472xf32, #tpu.memory_space<hbm>>) target_semaphore(%arg7 : memref<!tpu.dma_semaphore, #tpu.memory_space<semaphore_mem>>)
    %add3A_886 = arith.constant 10416 : i32
    %add3A_887 = arith.addi %mul3A_2, %add3A_886 : i32
    %dma_start3A_888 = tpu.memref_slice %arg3[%add3A_887] : memref<1000000xf32, #tpu.memory_space<hbm>> -> memref<3472xf32, #tpu.memory_space<hbm>>
    %dma_start3A_889 = tpu.memref_slice %arg3[%add3A_887] : memref<1000000xf32, #tpu.memory_space<hbm>> -> memref<3472xf32, #tpu.memory_space<hbm>>
    tpu.enqueue_dma source(%arg4 : memref<3472xf32, #tpu.memory_space<vmem>>) target(%dma_start3A_889 : memref<3472xf32, #tpu.memory_space<hbm>>) target_semaphore(%arg7 : memref<!tpu.dma_semaphore, #tpu.memory_space<semaphore_mem>>)
    %add3A_890 = arith.constant 13888 : i32
    %add3A_891 = arith.addi %mul3A_2, %add3A_890 : i32
    %dma_start3A_892 = tpu.memref_slice %arg3[%add3A_891] : memref<1000000xf32, #tpu.memory_space<hbm>> -> memref<3472xf32, #tpu.memory_space<hbm>>
    %dma_start3A_893 = tpu.memref_slice %arg3[%add3A_891] : memref<1000000xf32, #tpu.memory_space<hbm>> -> memref<3472xf32, #tpu.memory_space<hbm>>
    tpu.enqueue_dma source(%arg4 : memref<3472xf32, #tpu.memory_space<vmem>>) target(%dma_start3A_893 : memref<3472xf32, #tpu.memory_space<hbm>>) target_semaphore(%arg7 : memref<!tpu.dma_semaphore, #tpu.memory_space<semaphore_mem>>)
    %add3A_894 = arith.constant 17360 : i32
    %add3A_895 = arith.addi %mul3A_2, %add3A_894 : i32
    %dma_start3A_896 = tpu.memref_slice %arg3[%add3A_895] : memref<1000000xf32, #tpu.memory_space<hbm>> -> memref<3472xf32, #tpu.memory_space<hbm>>
    %dma_start3A_897 = tpu.memref_slice %arg3[%add3A_895] : memref<1000000xf32, #tpu.memory_space<hbm>> -> memref<3472xf32, #tpu.memory_space<hbm>>
    tpu.enqueue_dma source(%arg4 : memref<3472xf32, #tpu.memory_space<vmem>>) target(%dma_start3A_897 : memref<3472xf32, #tpu.memory_space<hbm>>) target_semaphore(%arg7 : memref<!tpu.dma_semaphore, #tpu.memory_space<semaphore_mem>>)
    %add3A_898 = arith.constant 20832 : i32
    %add3A_899 = arith.addi %mul3A_2, %add3A_898 : i32
    %dma_start3A_900 = tpu.memref_slice %arg3[%add3A_899] : memref<1000000xf32, #tpu.memory_space<hbm>> -> memref<3472xf32, #tpu.memory_space<hbm>>
    %dma_start3A_901 = tpu.memref_slice %arg3[%add3A_899] : memref<1000000xf32, #tpu.memory_space<hbm>> -> memref<3472xf32, #tpu.memory_space<hbm>>
    tpu.enqueue_dma source(%arg4 : memref<3472xf32, #tpu.memory_space<vmem>>) target(%dma_start3A_901 : memref<3472xf32, #tpu.memory_space<hbm>>) target_semaphore(%arg7 : memref<!tpu.dma_semaphore, #tpu.memory_space<semaphore_mem>>)
    %add3A_902 = arith.constant 24304 : i32
    %add3A_903 = arith.addi %mul3A_2, %add3A_902 : i32
    %dma_start3A_904 = tpu.memref_slice %arg3[%add3A_903] : memref<1000000xf32, #tpu.memory_space<hbm>> -> memref<3472xf32, #tpu.memory_space<hbm>>
    %dma_start3A_905 = tpu.memref_slice %arg3[%add3A_903] : memref<1000000xf32, #tpu.memory_space<hbm>> -> memref<3472xf32, #tpu.memory_space<hbm>>
    tpu.enqueue_dma source(%arg4 : memref<3472xf32, #tpu.memory_space<vmem>>) target(%dma_start3A_905 : memref<3472xf32, #tpu.memory_space<hbm>>) target_semaphore(%arg7 : memref<!tpu.dma_semaphore, #tpu.memory_space<semaphore_mem>>)
    %add3A_906 = arith.constant 27776 : i32
    %add3A_907 = arith.addi %mul3A_2, %add3A_906 : i32
    %dma_start3A_908 = tpu.memref_slice %arg3[%add3A_907] : memref<1000000xf32, #tpu.memory_space<hbm>> -> memref<3472xf32, #tpu.memory_space<hbm>>
    %dma_start3A_909 = tpu.memref_slice %arg3[%add3A_907] : memref<1000000xf32, #tpu.memory_space<hbm>> -> memref<3472xf32, #tpu.memory_space<hbm>>
    tpu.enqueue_dma source(%arg4 : memref<3472xf32, #tpu.memory_space<vmem>>) target(%dma_start3A_909 : memref<3472xf32, #tpu.memory_space<hbm>>) target_semaphore(%arg7 : memref<!tpu.dma_semaphore, #tpu.memory_space<semaphore_mem>>)
    %add3A_910 = arith.constant 31248 : i32
    %add3A_911 = arith.addi %mul3A_2, %add3A_910 : i32
    %dma_start3A_912 = tpu.memref_slice %arg3[%add3A_911] : memref<1000000xf32, #tpu.memory_space<hbm>> -> memref<3472xf32, #tpu.memory_space<hbm>>
    %dma_start3A_913 = tpu.memref_slice %arg3[%add3A_911] : memref<1000000xf32, #tpu.memory_space<hbm>> -> memref<3472xf32, #tpu.memory_space<hbm>>
    tpu.enqueue_dma source(%arg4 : memref<3472xf32, #tpu.memory_space<vmem>>) target(%dma_start3A_913 : memref<3472xf32, #tpu.memory_space<hbm>>) target_semaphore(%arg7 : memref<!tpu.dma_semaphore, #tpu.memory_space<semaphore_mem>>)
    %add3A_914 = arith.constant 34720 : i32
    %add3A_915 = arith.addi %mul3A_2, %add3A_914 : i32
    %dma_start3A_916 = tpu.memref_slice %arg3[%add3A_915] : memref<1000000xf32, #tpu.memory_space<hbm>> -> memref<3472xf32, #tpu.memory_space<hbm>>
    %dma_start3A_917 = tpu.memref_slice %arg3[%add3A_915] : memref<1000000xf32, #tpu.memory_space<hbm>> -> memref<3472xf32, #tpu.memory_space<hbm>>
    tpu.enqueue_dma source(%arg4 : memref<3472xf32, #tpu.memory_space<vmem>>) target(%dma_start3A_917 : memref<3472xf32, #tpu.memory_space<hbm>>) target_semaphore(%arg7 : memref<!tpu.dma_semaphore, #tpu.memory_space<semaphore_mem>>)
    %add3A_918 = arith.constant 38192 : i32
    %add3A_919 = arith.addi %mul3A_2, %add3A_918 : i32
    %dma_start3A_920 = tpu.memref_slice %arg3[%add3A_919] : memref<1000000xf32, #tpu.memory_space<hbm>> -> memref<3472xf32, #tpu.memory_space<hbm>>
    %dma_start3A_921 = tpu.memref_slice %arg3[%add3A_919] : memref<1000000xf32, #tpu.memory_space<hbm>> -> memref<3472xf32, #tpu.memory_space<hbm>>
    tpu.enqueue_dma source(%arg4 : memref<3472xf32, #tpu.memory_space<vmem>>) target(%dma_start3A_921 : memref<3472xf32, #tpu.memory_space<hbm>>) target_semaphore(%arg7 : memref<!tpu.dma_semaphore, #tpu.memory_space<semaphore_mem>>)
    %add3A_922 = arith.constant 41664 : i32
    %add3A_923 = arith.addi %mul3A_2, %add3A_922 : i32
    %dma_start3A_924 = tpu.memref_slice %arg3[%add3A_923] : memref<1000000xf32, #tpu.memory_space<hbm>> -> memref<3472xf32, #tpu.memory_space<hbm>>
    %dma_start3A_925 = tpu.memref_slice %arg3[%add3A_923] : memref<1000000xf32, #tpu.memory_space<hbm>> -> memref<3472xf32, #tpu.memory_space<hbm>>
    tpu.enqueue_dma source(%arg4 : memref<3472xf32, #tpu.memory_space<vmem>>) target(%dma_start3A_925 : memref<3472xf32, #tpu.memory_space<hbm>>) target_semaphore(%arg7 : memref<!tpu.dma_semaphore, #tpu.memory_space<semaphore_mem>>)
    %add3A_926 = arith.constant 45136 : i32
    %add3A_927 = arith.addi %mul3A_2, %add3A_926 : i32
    %dma_start3A_928 = tpu.memref_slice %arg3[%add3A_927] : memref<1000000xf32, #tpu.memory_space<hbm>> -> memref<3472xf32, #tpu.memory_space<hbm>>
    %dma_start3A_929 = tpu.memref_slice %arg3[%add3A_927] : memref<1000000xf32, #tpu.memory_space<hbm>> -> memref<3472xf32, #tpu.memory_space<hbm>>
    tpu.enqueue_dma source(%arg4 : memref<3472xf32, #tpu.memory_space<vmem>>) target(%dma_start3A_929 : memref<3472xf32, #tpu.memory_space<hbm>>) target_semaphore(%arg7 : memref<!tpu.dma_semaphore, #tpu.memory_space<semaphore_mem>>)
    %add3A_930 = arith.constant 48608 : i32
    %add3A_931 = arith.addi %mul3A_2, %add3A_930 : i32
    %dma_start3A_932 = tpu.memref_slice %arg3[%add3A_931] : memref<1000000xf32, #tpu.memory_space<hbm>> -> memref<3472xf32, #tpu.memory_space<hbm>>
    %dma_start3A_933 = tpu.memref_slice %arg3[%add3A_931] : memref<1000000xf32, #tpu.memory_space<hbm>> -> memref<3472xf32, #tpu.memory_space<hbm>>
    tpu.enqueue_dma source(%arg4 : memref<3472xf32, #tpu.memory_space<vmem>>) target(%dma_start3A_933 : memref<3472xf32, #tpu.memory_space<hbm>>) target_semaphore(%arg7 : memref<!tpu.dma_semaphore, #tpu.memory_space<semaphore_mem>>)
    %add3A_934 = arith.constant 52080 : i32
    %add3A_935 = arith.addi %mul3A_2, %add3A_934 : i32
    %dma_start3A_936 = tpu.memref_slice %arg3[%add3A_935] : memref<1000000xf32, #tpu.memory_space<hbm>> -> memref<3472xf32, #tpu.memory_space<hbm>>
    %dma_start3A_937 = tpu.memref_slice %arg3[%add3A_935] : memref<1000000xf32, #tpu.memory_space<hbm>> -> memref<3472xf32, #tpu.memory_space<hbm>>
    tpu.enqueue_dma source(%arg4 : memref<3472xf32, #tpu.memory_space<vmem>>) target(%dma_start3A_937 : memref<3472xf32, #tpu.memory_space<hbm>>) target_semaphore(%arg7 : memref<!tpu.dma_semaphore, #tpu.memory_space<semaphore_mem>>)
    %add3A_938 = arith.constant 55552 : i32
    %add3A_939 = arith.addi %mul3A_2, %add3A_938 : i32
    %dma_start3A_940 = tpu.memref_slice %arg3[%add3A_939] : memref<1000000xf32, #tpu.memory_space<hbm>> -> memref<3472xf32, #tpu.memory_space<hbm>>
    %dma_start3A_941 = tpu.memref_slice %arg3[%add3A_939] : memref<1000000xf32, #tpu.memory_space<hbm>> -> memref<3472xf32, #tpu.memory_space<hbm>>
    tpu.enqueue_dma source(%arg4 : memref<3472xf32, #tpu.memory_space<vmem>>) target(%dma_start3A_941 : memref<3472xf32, #tpu.memory_space<hbm>>) target_semaphore(%arg7 : memref<!tpu.dma_semaphore, #tpu.memory_space<semaphore_mem>>)
    %add3A_942 = arith.constant 59024 : i32
    %add3A_943 = arith.addi %mul3A_2, %add3A_942 : i32
    %dma_start3A_944 = tpu.memref_slice %arg3[%add3A_943] : memref<1000000xf32, #tpu.memory_space<hbm>> -> memref<3472xf32, #tpu.memory_space<hbm>>
    %dma_start3A_945 = tpu.memref_slice %arg3[%add3A_943] : memref<1000000xf32, #tpu.memory_space<hbm>> -> memref<3472xf32, #tpu.memory_space<hbm>>
    tpu.enqueue_dma source(%arg4 : memref<3472xf32, #tpu.memory_space<vmem>>) target(%dma_start3A_945 : memref<3472xf32, #tpu.memory_space<hbm>>) target_semaphore(%arg7 : memref<!tpu.dma_semaphore, #tpu.memory_space<semaphore_mem>>)
    %eq3A = arith.constant 0 : i32
    %eq3A_946 = arith.cmpi eq, %add3A, %eq3A : i32
    %convert_element_type3A = arith.extui %eq3A_946 : i1 to i32
    %cond3A = arith.constant 0 : i32
    %cond3A_947 = arith.cmpi ne, %convert_element_type3A, %cond3A : i32
    scf.if %cond3A_947 {
      %dma_start3A_1060 = arith.constant 0 : i32
      %dma_start3A_1061 = tpu.memref_slice %arg4[%dma_start3A_1060] : memref<3472xf32, #tpu.memory_space<vmem>> -> memref<64xf32, #tpu.memory_space<vmem>>
      %dma_start3A_1062 = arith.constant 999936 : i32
      %dma_start3A_1063 = tpu.memref_slice %arg3[%dma_start3A_1062] : memref<1000000xf32, #tpu.memory_space<hbm>> -> memref<64xf32, #tpu.memory_space<hbm>>
      %dma_start3A_1064 = arith.constant 999936 : i32
      %dma_start3A_1065 = tpu.memref_slice %arg3[%dma_start3A_1064] : memref<1000000xf32, #tpu.memory_space<hbm>> -> memref<64xf32, #tpu.memory_space<hbm>>
      %dma_start3A_1066 = arith.constant 0 : i32
      %dma_start3A_1067 = tpu.memref_slice %arg4[%dma_start3A_1066] : memref<3472xf32, #tpu.memory_space<vmem>> -> memref<64xf32, #tpu.memory_space<vmem>>
      tpu.enqueue_dma source(%dma_start3A_1067 : memref<64xf32, #tpu.memory_space<vmem>>) target(%dma_start3A_1065 : memref<64xf32, #tpu.memory_space<hbm>>) target_semaphore(%arg7 : memref<!tpu.dma_semaphore, #tpu.memory_space<semaphore_mem>>)
    } else {
    }
    %dma_wait3A = arith.constant 0 : i32
    %dma_wait3A_948 = tpu.memref_slice %arg5[%dma_wait3A] : memref<16xi32, #tpu.memory_space<vmem>> -> memref<2xi32, #tpu.memory_space<vmem>>
    %dma_wait3A_949 = arith.constant 0 : i32
    %dma_wait3A_950 = tpu.memref_slice %arg5[%dma_wait3A_949] : memref<16xi32, #tpu.memory_space<vmem>> -> memref<2xi32, #tpu.memory_space<vmem>>
    tpu.wait_dma2 semaphore(%arg8 : memref<!tpu.dma_semaphore, #tpu.memory_space<semaphore_mem>>) src(%arg2 : memref<2xi32, #tpu.memory_space<hbm>>) dst(%dma_wait3A_950 : memref<2xi32, #tpu.memory_space<vmem>>)
    %get3A = arith.constant 0 : index
    %get3A_951 = tpu.vector_load %arg5[%get3A] {strides = array<i32>} : memref<16xi32, #tpu.memory_space<vmem>>, vector<16xi32>,
    %get3A_952 = vector.shape_cast %get3A_951 : vector<16xi32> to vector<16xi32>
    %slice3A = vector.extract_strided_slice %get3A_952 {offsets = [0], sizes = [1], strides = [1]} : vector<16xi32> to vector<1xi32>
    %squeeze3A = vector.extract %slice3A[0] : i32 from vector<1xi32>
    %mul3A_953 = arith.constant 1000 : i32
    %mul3A_954 = arith.muli %squeeze3A, %mul3A_953 : i32
    %slice3A_955 = vector.extract_strided_slice %get3A_952 {offsets = [1], sizes = [1], strides = [1]} : vector<16xi32> to vector<1xi32>
    %squeeze3A_956 = vector.extract %slice3A_955[0] : i32 from vector<1xi32>
    %add3A_957 = arith.addi %mul3A_954, %squeeze3A_956 : i32
    %jit3A = arith.constant 62496 : i32
    %div3A = arith.divsi %add3A_957, %jit3A : i32
    %sign3A = arith.constant 0 : i32
    %sign3A_958 = arith.cmpi sgt, %add3A_957, %sign3A : i32
    %sign3A_959 = arith.extui %sign3A_958 : i1 to i32
    %sign3A_960 = arith.constant 0 : i32
    %sign3A_961 = arith.cmpi slt, %add3A_957, %sign3A_960 : i32
    %sign3A_962 = arith.extui %sign3A_961 : i1 to i32
    %sign3A_963 = arith.subi %sign3A_959, %sign3A_962 : i32
    %sign3A_964 = arith.constant 0 : i32
    %sign3A_965 = arith.cmpi sgt, %jit3A, %sign3A_964 : i32
    %sign3A_966 = arith.extui %sign3A_965 : i1 to i32
    %sign3A_967 = arith.constant 0 : i32
    %sign3A_968 = arith.cmpi slt, %jit3A, %sign3A_967 : i32
    %sign3A_969 = arith.extui %sign3A_968 : i1 to i32
    %sign3A_970 = arith.subi %sign3A_966, %sign3A_969 : i32
    %ne3A = arith.cmpi ne, %sign3A_963, %sign3A_970 : i32
    %rem3A = arith.remsi %add3A_957, %jit3A : i32
    %ne3A_971 = arith.constant 0 : i32
    %ne3A_972 = arith.cmpi ne, %rem3A, %ne3A_971 : i32
    %and3A = arith.andi %ne3A, %ne3A_972 : i1
    %sub3A = arith.constant 1 : i32
    %sub3A_973 = arith.subi %div3A, %sub3A : i32
    %select_n3A = arith.select %and3A, %sub3A_973, %div3A : i32
    %ge3A = arith.constant 16 : i32
    %ge3A_974 = arith.cmpi sge, %select_n3A, %ge3A : i32
    %jit3A_975 = arith.constant 0 : i32
    %select_n3A_976 = arith.select %ge3A_974, %jit3A_975, %select_n3A : i32
    %jit3A_977 = arith.constant 16 : i32
    %div3A_978 = arith.divsi %add3A_957, %jit3A_977 : i32
    %sign3A_979 = arith.constant 0 : i32
    %sign3A_980 = arith.cmpi sgt, %add3A_957, %sign3A_979 : i32
    %sign3A_981 = arith.extui %sign3A_980 : i1 to i32
    %sign3A_982 = arith.constant 0 : i32
    %sign3A_983 = arith.cmpi slt, %add3A_957, %sign3A_982 : i32
    %sign3A_984 = arith.extui %sign3A_983 : i1 to i32
    %sign3A_985 = arith.subi %sign3A_981, %sign3A_984 : i32
    %sign3A_986 = arith.constant 0 : i32
    %sign3A_987 = arith.cmpi sgt, %jit3A_977, %sign3A_986 : i32
    %sign3A_988 = arith.extui %sign3A_987 : i1 to i32
    %sign3A_989 = arith.constant 0 : i32
    %sign3A_990 = arith.cmpi slt, %jit3A_977, %sign3A_989 : i32
    %sign3A_991 = arith.extui %sign3A_990 : i1 to i32
    %sign3A_992 = arith.subi %sign3A_988, %sign3A_991 : i32
    %ne3A_993 = arith.cmpi ne, %sign3A_985, %sign3A_992 : i32
    %rem3A_994 = arith.remsi %add3A_957, %jit3A_977 : i32
    %ne3A_995 = arith.constant 0 : i32
    %ne3A_996 = arith.cmpi ne, %rem3A_994, %ne3A_995 : i32
    %and3A_997 = arith.andi %ne3A_993, %ne3A_996 : i1
    %sub3A_998 = arith.constant 1 : i32
    %sub3A_999 = arith.subi %div3A_978, %sub3A_998 : i32
    %select_n3A_1000 = arith.select %and3A_997, %sub3A_999, %div3A_978 : i32
    %mul3A_1001 = arith.constant 16 : i32
    %mul3A_1002 = arith.muli %select_n3A_1000, %mul3A_1001 : i32
    %sub3A_1003 = arith.subi %add3A_957, %mul3A_1002 : i32
    %iota3A = tpu.iota {dimensions = array<i32: 0>} : vector<16xi32>
    %eq3A_1004 = vector.broadcast %sub3A_1003 : i32 to vector<16xi32>
    %eq3A_1005 = arith.cmpi eq, %iota3A, %eq3A_1004 : vector<16xi32>
    %jit3A_1006 = arith.constant 1.000000e+00 : f32
    %jit3A_1007 = arith.constant 0.000000e+00 : f32
    %broadcast_in_dim3A_1008 = vector.broadcast %jit3A_1006 : f32 to vector<16xf32>
    %broadcast_in_dim3A_1009 = vector.broadcast %jit3A_1007 : f32 to vector<16xf32>
    %select_n3A_1010 = arith.select %eq3A_1005, %broadcast_in_dim3A_1008, %broadcast_in_dim3A_1009 : vector<16xi1>, vector<16xf32>
    %swap3A_1011 = arith.constant 0 : index
    %swap3A_1012 = tpu.vector_load %arg6[%swap3A_1011] {strides = array<i32>} : memref<16xf32, #tpu.memory_space<vmem>>, vector<16xf32>,
    %swap3A_1013 = vector.shape_cast %swap3A_1012 : vector<16xf32> to vector<16xf32>
    %swap3A_1014 = vector.shape_cast %select_n3A_1010 : vector<16xf32> to vector<16xf32>
    tpu.vector_store %arg6[%swap3A_1011], %swap3A_1014 {strides = array<i32>} : memref<16xf32, #tpu.memory_space<vmem>>, vector<16xf32>,
    %dma_wait3A_1015 = tpu.memref_slice %arg3[%add3A_875] : memref<1000000xf32, #tpu.memory_space<hbm>> -> memref<3472xf32, #tpu.memory_space<hbm>>
    %dma_wait3A_1016 = tpu.memref_slice %arg3[%add3A_875] : memref<1000000xf32, #tpu.memory_space<hbm>> -> memref<3472xf32, #tpu.memory_space<hbm>>
    tpu.wait_dma2 semaphore(%arg7 : memref<!tpu.dma_semaphore, #tpu.memory_space<semaphore_mem>>) src(%arg4 : memref<3472xf32, #tpu.memory_space<vmem>>) dst(%dma_wait3A_1016 : memref<3472xf32, #tpu.memory_space<hbm>>)
    %dma_wait3A_1017 = tpu.memref_slice %arg3[%add3A_879] : memref<1000000xf32, #tpu.memory_space<hbm>> -> memref<3472xf32, #tpu.memory_space<hbm>>
    %dma_wait3A_1018 = tpu.memref_slice %arg3[%add3A_879] : memref<1000000xf32, #tpu.memory_space<hbm>> -> memref<3472xf32, #tpu.memory_space<hbm>>
    tpu.wait_dma2 semaphore(%arg7 : memref<!tpu.dma_semaphore, #tpu.memory_space<semaphore_mem>>) src(%arg4 : memref<3472xf32, #tpu.memory_space<vmem>>) dst(%dma_wait3A_1018 : memref<3472xf32, #tpu.memory_space<hbm>>)
    %dma_wait3A_1019 = tpu.memref_slice %arg3[%add3A_883] : memref<1000000xf32, #tpu.memory_space<hbm>> -> memref<3472xf32, #tpu.memory_space<hbm>>
    %dma_wait3A_1020 = tpu.memref_slice %arg3[%add3A_883] : memref<1000000xf32, #tpu.memory_space<hbm>> -> memref<3472xf32, #tpu.memory_space<hbm>>
    tpu.wait_dma2 semaphore(%arg7 : memref<!tpu.dma_semaphore, #tpu.memory_space<semaphore_mem>>) src(%arg4 : memref<3472xf32, #tpu.memory_space<vmem>>) dst(%dma_wait3A_1020 : memref<3472xf32, #tpu.memory_space<hbm>>)
    %dma_wait3A_1021 = tpu.memref_slice %arg3[%add3A_887] : memref<1000000xf32, #tpu.memory_space<hbm>> -> memref<3472xf32, #tpu.memory_space<hbm>>
    %dma_wait3A_1022 = tpu.memref_slice %arg3[%add3A_887] : memref<1000000xf32, #tpu.memory_space<hbm>> -> memref<3472xf32, #tpu.memory_space<hbm>>
    tpu.wait_dma2 semaphore(%arg7 : memref<!tpu.dma_semaphore, #tpu.memory_space<semaphore_mem>>) src(%arg4 : memref<3472xf32, #tpu.memory_space<vmem>>) dst(%dma_wait3A_1022 : memref<3472xf32, #tpu.memory_space<hbm>>)
    %dma_wait3A_1023 = tpu.memref_slice %arg3[%add3A_891] : memref<1000000xf32, #tpu.memory_space<hbm>> -> memref<3472xf32, #tpu.memory_space<hbm>>
    %dma_wait3A_1024 = tpu.memref_slice %arg3[%add3A_891] : memref<1000000xf32, #tpu.memory_space<hbm>> -> memref<3472xf32, #tpu.memory_space<hbm>>
    tpu.wait_dma2 semaphore(%arg7 : memref<!tpu.dma_semaphore, #tpu.memory_space<semaphore_mem>>) src(%arg4 : memref<3472xf32, #tpu.memory_space<vmem>>) dst(%dma_wait3A_1024 : memref<3472xf32, #tpu.memory_space<hbm>>)
    %dma_wait3A_1025 = tpu.memref_slice %arg3[%add3A_895] : memref<1000000xf32, #tpu.memory_space<hbm>> -> memref<3472xf32, #tpu.memory_space<hbm>>
    %dma_wait3A_1026 = tpu.memref_slice %arg3[%add3A_895] : memref<1000000xf32, #tpu.memory_space<hbm>> -> memref<3472xf32, #tpu.memory_space<hbm>>
    tpu.wait_dma2 semaphore(%arg7 : memref<!tpu.dma_semaphore, #tpu.memory_space<semaphore_mem>>) src(%arg4 : memref<3472xf32, #tpu.memory_space<vmem>>) dst(%dma_wait3A_1026 : memref<3472xf32, #tpu.memory_space<hbm>>)
    %dma_wait3A_1027 = tpu.memref_slice %arg3[%add3A_899] : memref<1000000xf32, #tpu.memory_space<hbm>> -> memref<3472xf32, #tpu.memory_space<hbm>>
    %dma_wait3A_1028 = tpu.memref_slice %arg3[%add3A_899] : memref<1000000xf32, #tpu.memory_space<hbm>> -> memref<3472xf32, #tpu.memory_space<hbm>>
    tpu.wait_dma2 semaphore(%arg7 : memref<!tpu.dma_semaphore, #tpu.memory_space<semaphore_mem>>) src(%arg4 : memref<3472xf32, #tpu.memory_space<vmem>>) dst(%dma_wait3A_1028 : memref<3472xf32, #tpu.memory_space<hbm>>)
    %dma_wait3A_1029 = tpu.memref_slice %arg3[%add3A_903] : memref<1000000xf32, #tpu.memory_space<hbm>> -> memref<3472xf32, #tpu.memory_space<hbm>>
    %dma_wait3A_1030 = tpu.memref_slice %arg3[%add3A_903] : memref<1000000xf32, #tpu.memory_space<hbm>> -> memref<3472xf32, #tpu.memory_space<hbm>>
    tpu.wait_dma2 semaphore(%arg7 : memref<!tpu.dma_semaphore, #tpu.memory_space<semaphore_mem>>) src(%arg4 : memref<3472xf32, #tpu.memory_space<vmem>>) dst(%dma_wait3A_1030 : memref<3472xf32, #tpu.memory_space<hbm>>)
    %dma_wait3A_1031 = tpu.memref_slice %arg3[%add3A_907] : memref<1000000xf32, #tpu.memory_space<hbm>> -> memref<3472xf32, #tpu.memory_space<hbm>>
    %dma_wait3A_1032 = tpu.memref_slice %arg3[%add3A_907] : memref<1000000xf32, #tpu.memory_space<hbm>> -> memref<3472xf32, #tpu.memory_space<hbm>>
    tpu.wait_dma2 semaphore(%arg7 : memref<!tpu.dma_semaphore, #tpu.memory_space<semaphore_mem>>) src(%arg4 : memref<3472xf32, #tpu.memory_space<vmem>>) dst(%dma_wait3A_1032 : memref<3472xf32, #tpu.memory_space<hbm>>)
    %dma_wait3A_1033 = tpu.memref_slice %arg3[%add3A_911] : memref<1000000xf32, #tpu.memory_space<hbm>> -> memref<3472xf32, #tpu.memory_space<hbm>>
    %dma_wait3A_1034 = tpu.memref_slice %arg3[%add3A_911] : memref<1000000xf32, #tpu.memory_space<hbm>> -> memref<3472xf32, #tpu.memory_space<hbm>>
    tpu.wait_dma2 semaphore(%arg7 : memref<!tpu.dma_semaphore, #tpu.memory_space<semaphore_mem>>) src(%arg4 : memref<3472xf32, #tpu.memory_space<vmem>>) dst(%dma_wait3A_1034 : memref<3472xf32, #tpu.memory_space<hbm>>)
    %dma_wait3A_1035 = tpu.memref_slice %arg3[%add3A_915] : memref<1000000xf32, #tpu.memory_space<hbm>> -> memref<3472xf32, #tpu.memory_space<hbm>>
    %dma_wait3A_1036 = tpu.memref_slice %arg3[%add3A_915] : memref<1000000xf32, #tpu.memory_space<hbm>> -> memref<3472xf32, #tpu.memory_space<hbm>>
    tpu.wait_dma2 semaphore(%arg7 : memref<!tpu.dma_semaphore, #tpu.memory_space<semaphore_mem>>) src(%arg4 : memref<3472xf32, #tpu.memory_space<vmem>>) dst(%dma_wait3A_1036 : memref<3472xf32, #tpu.memory_space<hbm>>)
    %dma_wait3A_1037 = tpu.memref_slice %arg3[%add3A_919] : memref<1000000xf32, #tpu.memory_space<hbm>> -> memref<3472xf32, #tpu.memory_space<hbm>>
    %dma_wait3A_1038 = tpu.memref_slice %arg3[%add3A_919] : memref<1000000xf32, #tpu.memory_space<hbm>> -> memref<3472xf32, #tpu.memory_space<hbm>>
    tpu.wait_dma2 semaphore(%arg7 : memref<!tpu.dma_semaphore, #tpu.memory_space<semaphore_mem>>) src(%arg4 : memref<3472xf32, #tpu.memory_space<vmem>>) dst(%dma_wait3A_1038 : memref<3472xf32, #tpu.memory_space<hbm>>)
    %dma_wait3A_1039 = tpu.memref_slice %arg3[%add3A_923] : memref<1000000xf32, #tpu.memory_space<hbm>> -> memref<3472xf32, #tpu.memory_space<hbm>>
    %dma_wait3A_1040 = tpu.memref_slice %arg3[%add3A_923] : memref<1000000xf32, #tpu.memory_space<hbm>> -> memref<3472xf32, #tpu.memory_space<hbm>>
    tpu.wait_dma2 semaphore(%arg7 : memref<!tpu.dma_semaphore, #tpu.memory_space<semaphore_mem>>) src(%arg4 : memref<3472xf32, #tpu.memory_space<vmem>>) dst(%dma_wait3A_1040 : memref<3472xf32, #tpu.memory_space<hbm>>)
    %dma_wait3A_1041 = tpu.memref_slice %arg3[%add3A_927] : memref<1000000xf32, #tpu.memory_space<hbm>> -> memref<3472xf32, #tpu.memory_space<hbm>>
    %dma_wait3A_1042 = tpu.memref_slice %arg3[%add3A_927] : memref<1000000xf32, #tpu.memory_space<hbm>> -> memref<3472xf32, #tpu.memory_space<hbm>>
    tpu.wait_dma2 semaphore(%arg7 : memref<!tpu.dma_semaphore, #tpu.memory_space<semaphore_mem>>) src(%arg4 : memref<3472xf32, #tpu.memory_space<vmem>>) dst(%dma_wait3A_1042 : memref<3472xf32, #tpu.memory_space<hbm>>)
    %dma_wait3A_1043 = tpu.memref_slice %arg3[%add3A_931] : memref<1000000xf32, #tpu.memory_space<hbm>> -> memref<3472xf32, #tpu.memory_space<hbm>>
    %dma_wait3A_1044 = tpu.memref_slice %arg3[%add3A_931] : memref<1000000xf32, #tpu.memory_space<hbm>> -> memref<3472xf32, #tpu.memory_space<hbm>>
    tpu.wait_dma2 semaphore(%arg7 : memref<!tpu.dma_semaphore, #tpu.memory_space<semaphore_mem>>) src(%arg4 : memref<3472xf32, #tpu.memory_space<vmem>>) dst(%dma_wait3A_1044 : memref<3472xf32, #tpu.memory_space<hbm>>)
    %dma_wait3A_1045 = tpu.memref_slice %arg3[%add3A_935] : memref<1000000xf32, #tpu.memory_space<hbm>> -> memref<3472xf32, #tpu.memory_space<hbm>>
    %dma_wait3A_1046 = tpu.memref_slice %arg3[%add3A_935] : memref<1000000xf32, #tpu.memory_space<hbm>> -> memref<3472xf32, #tpu.memory_space<hbm>>
    tpu.wait_dma2 semaphore(%arg7 : memref<!tpu.dma_semaphore, #tpu.memory_space<semaphore_mem>>) src(%arg4 : memref<3472xf32, #tpu.memory_space<vmem>>) dst(%dma_wait3A_1046 : memref<3472xf32, #tpu.memory_space<hbm>>)
    %dma_wait3A_1047 = tpu.memref_slice %arg3[%add3A_939] : memref<1000000xf32, #tpu.memory_space<hbm>> -> memref<3472xf32, #tpu.memory_space<hbm>>
    %dma_wait3A_1048 = tpu.memref_slice %arg3[%add3A_939] : memref<1000000xf32, #tpu.memory_space<hbm>> -> memref<3472xf32, #tpu.memory_space<hbm>>
    tpu.wait_dma2 semaphore(%arg7 : memref<!tpu.dma_semaphore, #tpu.memory_space<semaphore_mem>>) src(%arg4 : memref<3472xf32, #tpu.memory_space<vmem>>) dst(%dma_wait3A_1048 : memref<3472xf32, #tpu.memory_space<hbm>>)
    %dma_wait3A_1049 = tpu.memref_slice %arg3[%add3A_943] : memref<1000000xf32, #tpu.memory_space<hbm>> -> memref<3472xf32, #tpu.memory_space<hbm>>
    %dma_wait3A_1050 = tpu.memref_slice %arg3[%add3A_943] : memref<1000000xf32, #tpu.memory_space<hbm>> -> memref<3472xf32, #tpu.memory_space<hbm>>
    tpu.wait_dma2 semaphore(%arg7 : memref<!tpu.dma_semaphore, #tpu.memory_space<semaphore_mem>>) src(%arg4 : memref<3472xf32, #tpu.memory_space<vmem>>) dst(%dma_wait3A_1050 : memref<3472xf32, #tpu.memory_space<hbm>>)
    %eq3A_1051 = arith.constant 0 : i32
    %eq3A_1052 = arith.cmpi eq, %add3A, %eq3A_1051 : i32
    %convert_element_type3A_1053 = arith.extui %eq3A_1052 : i1 to i32
    %cond3A_1054 = arith.constant 0 : i32
    %cond3A_1055 = arith.cmpi ne, %convert_element_type3A_1053, %cond3A_1054 : i32
    scf.if %cond3A_1055 {
      %dma_wait3A_1060 = arith.constant 0 : i32
      %dma_wait3A_1061 = tpu.memref_slice %arg4[%dma_wait3A_1060] : memref<3472xf32, #tpu.memory_space<vmem>> -> memref<64xf32, #tpu.memory_space<vmem>>
      %dma_wait3A_1062 = arith.constant 999936 : i32
      %dma_wait3A_1063 = tpu.memref_slice %arg3[%dma_wait3A_1062] : memref<1000000xf32, #tpu.memory_space<hbm>> -> memref<64xf32, #tpu.memory_space<hbm>>
      %dma_wait3A_1064 = arith.constant 999936 : i32
      %dma_wait3A_1065 = tpu.memref_slice %arg3[%dma_wait3A_1064] : memref<1000000xf32, #tpu.memory_space<hbm>> -> memref<64xf32, #tpu.memory_space<hbm>>
      %dma_wait3A_1066 = arith.constant 0 : i32
      %dma_wait3A_1067 = tpu.memref_slice %arg4[%dma_wait3A_1066] : memref<3472xf32, #tpu.memory_space<vmem>> -> memref<64xf32, #tpu.memory_space<vmem>>
      tpu.wait_dma2 semaphore(%arg7 : memref<!tpu.dma_semaphore, #tpu.memory_space<semaphore_mem>>) src(%dma_wait3A_1067 : memref<64xf32, #tpu.memory_space<vmem>>) dst(%dma_wait3A_1065 : memref<64xf32, #tpu.memory_space<hbm>>)
    } else {
    }
    %eq3A_1056 = arith.cmpi eq, %add3A, %select_n3A_976 : i32
    %convert_element_type3A_1057 = arith.extui %eq3A_1056 : i1 to i32
    %cond3A_1058 = arith.constant 0 : i32
    %cond3A_1059 = arith.cmpi ne, %convert_element_type3A_1057, %cond3A_1058 : i32
    scf.if %cond3A_1059 {
      "tpu.region"() ({
        %run_scoped3A = tpu.sem_alloc : memref<!tpu.dma_semaphore, #tpu.memory_space<semaphore_mem>>
        %dma_start3A_1060 = tpu.memref_slice %arg3[%mul3A_1002] : memref<1000000xf32, #tpu.memory_space<hbm>> -> memref<16xf32, #tpu.memory_space<hbm>>
        %dma_start3A_1061 = tpu.memref_slice %arg3[%mul3A_1002] : memref<1000000xf32, #tpu.memory_space<hbm>> -> memref<16xf32, #tpu.memory_space<hbm>>
        tpu.enqueue_dma source(%arg6 : memref<16xf32, #tpu.memory_space<vmem>>) target(%dma_start3A_1061 : memref<16xf32, #tpu.memory_space<hbm>>) target_semaphore(%run_scoped3A : memref<!tpu.dma_semaphore, #tpu.memory_space<semaphore_mem>>)
        %dma_wait3A_1062 = tpu.memref_slice %arg3[%mul3A_1002] : memref<1000000xf32, #tpu.memory_space<hbm>> -> memref<16xf32, #tpu.memory_space<hbm>>
        %dma_wait3A_1063 = tpu.memref_slice %arg3[%mul3A_1002] : memref<1000000xf32, #tpu.memory_space<hbm>> -> memref<16xf32, #tpu.memory_space<hbm>>
        tpu.wait_dma2 semaphore(%run_scoped3A : memref<!tpu.dma_semaphore, #tpu.memory_space<semaphore_mem>>) src(%arg6 : memref<16xf32, #tpu.memory_space<vmem>>) dst(%dma_wait3A_1063 : memref<16xf32, #tpu.memory_space<hbm>>)
        tpu.yield
      }) : () -> ()
    } else {
    }
    return
  }
}

</mosaic_0001>

<sc_bundles>
// kernel: kernel.3.cloned.1.call-start
scs
__scs_entry_jumppad:
0x0: {  	(pc) =	sbr.rel $0x88, $3  }
0x1: {  	(tag) =	ssettag $0x0;
	lr =	simm.s32 $0x1  }
0x2: {  	[smem:$0x3FA0] =	sst lr;
	_ =	strace $0xD0000000  }
0x3: {  	_ = 	snop  }
0x4: {  	_ = 	snop  }
0x5: {  	_ = 	snop  }
0x6: {  	_ = 	snop  }
0x7: {  	_ = 	snop  }
__scs_overlays_trampoline_lowered:
0x8: {  	[smem:$0x3FAF] =	sst s0  }
0x9: {  	[smem:$0x3FB0] =	sst s1  }
0xa: {  	[smem:$0x3FB1] =	sst s2  }
0xb: {  	[smem:$0x3FB2] =	sst s3  }
0xc: {  	[smem:$0x3FB3] =	sst s4  }
0xd: {  	[smem:$0x3FB4] =	sst s5  }
0xe: {  	[smem:$0x3FB5] =	sst s6  }
0xf: {  	[smem:$0x3FB6] =	sst s7  }
0x10: {  	[smem:$0x3FB7] =	sst s8  }
0x11: {  	[smem:$0x3FB8] =	sst s9;
	s0 =	simm.s32 @!p0 $0x0  }
0x12: {  	s1 =	sld [smem:$0x3F9E];
	s0 =	simm.s32 @p0 $0x1  }
0x13: {  	[smem:$0x3FB9] =	sst s0;
	s0 =	simm.s32 @!p1 $0x0  }
0x14: {  	s2 =	sld [smem:$0x3F9D];
	s0 =	simm.s32 @p1 $0x1  }
0x15: {  	[smem:$0x3FBA] =	sst s0;
	s0 =	simm.s32 @!p2 $0x0  }
0x16: {  	s3 =	sld [smem:$0x3FDB];
	s0 =	simm.s32 @p2 $0x1  }
0x17: {  	s4 =	simm.s32 $0x1BF5;
	[smem:$0x3FBC] =	sst s0  }
0x18: {  	s0 =	sld [smem:$0x3F9F];
	_ =	swait.ge [sflag:s4], $0x0  }
0x19: {  	s7 =	sld [smem:$0x3FA0]  }
0x1a: {  	s8 =	sadd.s32 $0xFFFFE003, lr  }
0x1b: {  	s9 =	sadd.s32 $0xFFFFFEF7, lr;
	s5 =	simm.s32 $0xFFFFFFFF;
	p2 =	slt.u32 s8, $0xFFFFF086  }
0x1c: {  	p1 =	slt.u32 s9, $0xF7A;
	s5 =	simm.s32 @!p2 $0x0  }
0x1d: {  	s5 =	simm.s32 @p1 $0x1;
	p0 =	seq.s32 s7, s2  }
0x1e: {  	s7 =	smul.u32 @!p0 $0xF7A, s2;
	p2 =	seq.s32 @!p0 s5, $0x0  }
0x1f: {  	s9 =	smul.u32 $0xF7A, s1;
	s8 =	simm.s32 @!p0 $0x1BF5;
	p2 =	por !p2, p0  }
0x20: {  	[sflag:s8] =	ssyncset.s32 @!p0 $0xFFFFF086;
	s6 =	sadd.s32 @!p0 s3, s7;
	s7 =	simm.s32 @!p0 $0x108  }
0x21: {  	s3 =	sadd.s32 s3, s9;
	s6 =	sadd.s32 @!p0 $0x88, s6;
	s7 =	simm.s32 @p2 $0x1082  }
0x22: {  	[simem:s7], [sflag:s8] =	dma.local @!p0 [hbm:s6], $0xF7A  }
0x23: {  	s9 =	sor.u32 $0xD0000000, s2;
	s6 =	simm.s32 $0x108;
	_ =	swait.ge @!p0 [sflag:s8], $0x0  }
0x24: {  	s3 =	sadd.s32 $0x88, s3;
	s6 =	simm.s32 @!p1 $0x1082;
	[sflag:s4] =	ssyncset.s32 $0xFFFFF086  }
0x25: {  	[simem:s6], [sflag:s4] =	dma.local [hbm:s3], $0xF7A  }
0x26: {  	[smem:$0x3FA0] =	sst s1;
	(tag) =	ssettag s2;
	_ =	strace s9  }
0x27: {  	s1 =	sld [smem:$0x3FB0]  }
0x28: {  	s2 =	sld [smem:$0x3FB1]  }
0x29: {  	s4 =	sld [smem:$0x3FB3]  }
0x2a: {  	p0 =	seq.s32 s5, $0x0;
	s5 =	sld [smem:$0x3FB4]  }
0x2b: {  	s6 =	sld [smem:$0x3FB5]  }
0x2c: {  	s7 =	sld [smem:$0x3FB6]  }
0x2d: {  	s3 =	simm.s32 $0x108;
	s8 =	sld [smem:$0x3FB7]  }
0x2e: {  	s3 =	simm.s32 @!p0 $0x1082;
	s9 =	sld [smem:$0x3FB8]  }
0x2f: {  	lr =	sadd.s32 s0, s3;
	s0 =	sld [smem:$0x3FAF]  }
0x30: {  	s3 =	sld [smem:$0x3FB2]  }
0x31: {  	[smem:$0x3FBB] =	sst s10  }
0x32: {  	s10 =	sld [smem:$0x3FB9];
	_ =	sdelay $0x3  }
0x33: {  	p0 =	seq.s32 s10, $0x1;
	s10 =	sld [smem:$0x3FBB];
	_ =	sdelay $0x3  }
0x34: {  	[smem:$0x3FBB] =	sst s10  }
0x35: {  	s10 =	sld [smem:$0x3FBA];
	_ =	sdelay $0x3  }
0x36: {  	p1 =	seq.s32 s10, $0x1;
	s10 =	sld [smem:$0x3FBB];
	_ =	sdelay $0x3  }
0x37: {  	[smem:$0x3FBB] =	sst s10  }
0x38: {  	s10 =	sld [smem:$0x3FBC]  }
0x39: {  	_ = 	snop;
	(pc) =	sbr.ind lr, $3  }
0x3a: {  	_ = 	snop  }
0x3b: {  	_ = 	snop  }
0x3c: {  	p2 =	seq.s32 s10, $0x1;
	s10 =	sld [smem:$0x3FBB]  }
0x3d: {  	_ =	shalt  }
0x3e: {  	_ =	shalt  }
0x3f: {  	_ =	shalt  }
0x40: {  	_ =	shalt  }
0x41: {  	_ =	shalt  }
0x42: {  	_ =	shalt  }
0x43: {  	_ =	shalt  }
0x44: {  	_ =	shalt  }
0x45: {  	_ =	shalt  }
0x46: {  	_ =	shalt  }
0x47: {  	_ =	shalt  }
0x48: {  	_ =	shalt  }
0x49: {  	_ =	shalt  }
0x4a: {  	_ =	shalt  }
0x4b: {  	_ =	shalt  }
0x4c: {  	_ =	shalt  }
0x4d: {  	_ =	shalt  }
0x4e: {  	_ =	shalt  }
0x4f: {  	_ =	shalt  }
0x50: {  	_ =	shalt  }
0x51: {  	_ =	shalt  }
0x52: {  	_ =	shalt  }
0x53: {  	_ =	shalt  }
0x54: {  	_ =	shalt  }
0x55: {  	_ =	shalt  }
0x56: {  	_ =	shalt  }
0x57: {  	_ =	shalt  }
0x58: {  	_ =	shalt  }
0x59: {  	_ =	shalt  }
0x5a: {  	_ =	shalt  }
0x5b: {  	_ =	shalt  }
0x5c: {  	_ =	shalt  }
0x5d: {  	_ =	shalt  }
0x5e: {  	_ =	shalt  }
0x5f: {  	_ =	shalt  }
0x60: {  	_ =	shalt  }
0x61: {  	_ =	shalt  }
0x62: {  	_ =	shalt  }
0x63: {  	_ =	shalt  }
0x64: {  	_ =	shalt  }
0x65: {  	_ =	shalt  }
0x66: {  	_ =	shalt  }
0x67: {  	_ =	shalt  }
0x68: {  	_ =	shalt  }
0x69: {  	_ =	shalt  }
0x6a: {  	_ =	shalt  }
0x6b: {  	_ =	shalt  }
0x6c: {  	_ =	shalt  }
0x6d: {  	_ =	shalt  }
0x6e: {  	_ =	shalt  }
0x6f: {  	_ =	shalt  }
0x70: {  	_ =	shalt  }
0x71: {  	_ =	shalt  }
0x72: {  	_ =	shalt  }
0x73: {  	_ =	shalt  }
0x74: {  	_ =	shalt  }
0x75: {  	_ =	shalt  }
0x76: {  	_ =	shalt  }
0x77: {  	_ =	shalt  }
0x78: {  	_ =	shalt  }
0x79: {  	_ =	shalt  }
0x7a: {  	_ =	shalt  }
0x7b: {  	_ =	shalt  }
0x7c: {  	_ =	shalt  }
0x7d: {  	_ =	shalt  }
0x7e: {  	_ =	shalt  }
0x7f: {  	_ =	shalt  }
0x80: {  	_ =	shalt  }
0x81: {  	_ =	shalt  }
0x82: {  	_ =	shalt  }
0x83: {  	_ =	shalt  }
0x84: {  	_ =	shalt  }
0x85: {  	_ =	shalt  }
0x86: {  	_ =	shalt  }
0x87: {  	_ =	shalt  }
.Lfunc_end0:
.L_simem_size_0:
called_computation_lowered:
.L_overlay_start_0:
0x88: {  	s0 =	sld [smem:$0x3FD9]  }
0x89: {  	s1 =	sld [smem:$0x3FFE];
	_ =	sdelay $0x3  }
0x8a: {  	s0 =	sadd.s32 s1, s0  }
0x8b: {  	[smem:$0x3FC7] =	sst s0  }
0x8c: {  	_ = 	snop  }
0x8d: {  	s0 =	sld [smem:$0x3FC9]  }
0x8e: {  	s17 =	sld [smem:$0x3FD0];
	(tm) =	ssettm $0x1  }
0x8f: {  	s2 =	sld [smem:$0x3FFB];
	_ =	sdelay $0x3  }
0x90: {  	_ =	strace s2  }
0x91: {  	s2 =	sld [smem:$0x3FFC];
	_ =	sdelay $0x3  }
0x92: {  	_ =	strace s2  }
0x93: {  	s2 =	sld [smem:$0x3FFD];
	_ =	sdelay $0x3  }
0x94: {  	_ =	strace s2  }
0x95: {  	_ =	strace $0x8FFFFFFF  }
0x96: {  	s18 =	sld [smem:$0x3FDB];
	_ =	sdelay $0x1  }
0x97: {  	s3 =	simm.s32 $_scs_section_size  }
0x98: {  	s4 =	simm.s32 $_size__tile_overlayer_lowered;
	s5 =	simm.s32 $_tile_overlayer_lowered  }
0x99: {  	s21 =	simm.s32 $0x1BFF;
	s20 =	sshll.u32 s5, $0x1;
	s2 =	sadd.s32 s3, s18  }
0x9a: {  	s6 =	simm.s32 $0x0;
	s19 =	sshll.u32 s4, $0x1;
	s4 =	sadd.s32 s20, s2  }
0x9b: {  	[timem:s6], [sflag:s21] =	dma.local [hbm:s4], s19  }
0x9c: {  	_ =	swait.ge [sflag:s21], s19  }
0x9d: {  	s3 =	ssub.s32 $0x0, s19;
	[sflag:s21] =	ssyncset.done $0x0  }
0x9e: {  	[sflag:s21] =	ssyncadd.s32 s3;
	_ =	sdelay $0x1  }
0x9f: {  	s22 =	simm.s32 $0x1B8B  }
0xa0: {  	_ =	swait.ge [sflag:s22], $0x1  }
0xa1: {  	[sflag:s22] =	ssyncset.done $0x0  }
0xa2: {  	s23 =	simm.s32 $0x1B8E;
	[sflag:s22] =	ssyncadd.s32 $0xFFFFFFFF  }
0xa3: {  	s24 =	simm.s32 $execute0_lowered;
	[smem:$0x3FD2] =	sst s23  }
0xa4: {  	s3 =	sshll.u32 s24, $0x1;
	_ =	strace $0x80000046;
	[dreg:$0x1] =	wrdreg $0xFFFFFFFF  }
0xa5: {  	s25 =	simm.s32 $_size_execute0_lowered;
	s2 =	sadd.s32 s2, s3;
	[dreg:$0x0] =	wrdreg $0x0  }
0xa6: {  	s3 =	sshll.u32 s25, $0x1;
	[dreg:$0x2] =	wrdreg s2  }
0xa7: {  	[dreg:$0x3] =	wrdreg s3  }
0xa8: {  	[dreg:$0x4] =	wrdreg $0xC0  }
0xa9: {  	_ =	task [dreg:s6], $0x5FFFF  }
0xaa: {  	[dreg:$0x1] =	wrdreg $0xFFFFFFFF  }
0xab: {  	[dreg:$0x0] =	wrdreg $0x60  }
0xac: {  	[dreg:$0x2] =	wrdreg s0  }
0xad: {  	[dreg:$0x3] =	wrdreg s17  }
0xae: {  	[dreg:$0x4] =	wrdreg $0x9  }
0xaf: {  	_ =	task.clear_ibuf [dreg:s6], $0x5FFFF;
	_ =	strace $0x90000046  }
0xb0: {  	s26 =	simm.s32 $0x9;
	_ =	strace $0x80000048  }
0xb1: {  	_ =	swait.ge [sflag:s26], $0x1  }
0xb2: {  	[sflag:s26] =	ssyncadd.s32 $0xFFFFFFFF  }
0xb3: {  	_ =	strace $0x90000048  }
0xb4: {  	_ =	sfence  }
0xb5: {  	s28 =	sld [smem:$0x0];
	_ =	sdelay $0x1  }
0xb6: {  	s29 =	srdreg.scid  }
0xb7: {  	s30 =	sshll.u32 s29, $0xD;
	s31 =	sshrl.u32 s29, $0x2  }
0xb8: {  	s1 =	sand.u32 $0x1, s29;
	s2 =	sand.u32 $0x4000, s30;
	s0 =	sadd.s32 s31, s28  }
0xb9: {  	s1 =	sor.u32 s2, s1;
	s0 =	sshll.u32 s0, $0x11  }
0xba: {  	s0 =	sor.u32 s0, s1  }
0xbb: {  	s0 =	sadd.s32 $0x8F2B, s0  }
0xbc: {  	[sflag:s0] =	ssyncadd.remote.s32 $0x1  }
0xbd: {  	_ =	sfence.sel $0xFFFF  }
0xbe: {  	[dreg:$0x0] =	wrdreg $0xFFFFFFFF;
	(pc) =	sbr.abs _section_cstart, $3  }
0xbf: {  	[dreg:$0x1] =	wrdreg $0xFFFFFFFF  }
0xc0: {  	_ =	task.clear_ibuf [dreg:s6], $0x2FFFF;
	_ =	strace $0x9FFFFFFF  }
0xc1: {  	(tm) =	ssettm $0x7FFFFFFF  }
tec
execute0_lowered:
.L_overlay_start_1:
0x0: {  	(tag) =	ssettag $0x1  }
0x1: {  	s3 =	rddreg [dreg:$0x0]  }
0x2: {  	s1 =	rddreg [dreg:$0x1];
	s2 =	simm.s32 $0x0  }
0x3: {  	[smem:$0x7FF] =	sst s2  }
0x4: {  	s0 =	rddreg [dreg:$0x2];
	s4 =	simm.s32 $0xE00;
	_ =	strace $0x80000047  }
0x5: {  	v0 =	vimm.f32 $0.0e+00;
	[tilespmem:s4], [sflag:$0x2] =	stream.linear.gather [hbm4b:s3+s2], $0x2, $0x38;
	[tilespmem:$0xF00] =	vst v63  }
0x6: {  	[tilespmem:$0x0] =	vst v0  }
0x7: {  	[tilespmem:$0x10] =	vst v0  }
0x8: {  	[tilespmem:$0x20] =	vst v0  }
0x9: {  	[tilespmem:$0x30] =	vst v0  }
0xa: {  	[tilespmem:$0x40] =	vst v0  }
0xb: {  	[tilespmem:$0x50] =	vst v0  }
0xc: {  	[tilespmem:$0x60] =	vst v0  }
0xd: {  	[tilespmem:$0x70] =	vst v0  }
0xe: {  	[tilespmem:$0x80] =	vst v0  }
0xf: {  	[tilespmem:$0x90] =	vst v0  }
0x10: {  	[tilespmem:$0xA0] =	vst v0  }
0x11: {  	[tilespmem:$0xB0] =	vst v0  }
0x12: {  	[tilespmem:$0xC0] =	vst v0  }
0x13: {  	[tilespmem:$0xD0] =	vst v0  }
0x14: {  	[tilespmem:$0xE0] =	vst v0  }
0x15: {  	[tilespmem:$0xF0] =	vst v0  }
0x16: {  	[tilespmem:$0x100] =	vst v0  }
0x17: {  	[tilespmem:$0x110] =	vst v0  }
0x18: {  	[tilespmem:$0x120] =	vst v0  }
0x19: {  	[tilespmem:$0x130] =	vst v0  }
0x1a: {  	[tilespmem:$0x140] =	vst v0  }
0x1b: {  	[tilespmem:$0x150] =	vst v0  }
0x1c: {  	[tilespmem:$0x160] =	vst v0  }
0x1d: {  	[tilespmem:$0x170] =	vst v0  }
0x1e: {  	[tilespmem:$0x180] =	vst v0  }
0x1f: {  	[tilespmem:$0x190] =	vst v0  }
0x20: {  	[tilespmem:$0x1A0] =	vst v0  }
0x21: {  	[tilespmem:$0x1B0] =	vst v0  }
0x22: {  	[tilespmem:$0x1C0] =	vst v0  }
0x23: {  	[tilespmem:$0x1D0] =	vst v0  }
0x24: {  	[tilespmem:$0x1E0] =	vst v0  }
0x25: {  	[tilespmem:$0x1F0] =	vst v0  }
0x26: {  	[tilespmem:$0x200] =	vst v0  }
0x27: {  	[tilespmem:$0x210] =	vst v0  }
0x28: {  	[tilespmem:$0x220] =	vst v0  }
0x29: {  	[tilespmem:$0x230] =	vst v0  }
0x2a: {  	[tilespmem:$0x240] =	vst v0  }
0x2b: {  	[tilespmem:$0x250] =	vst v0  }
0x2c: {  	[tilespmem:$0x260] =	vst v0  }
0x2d: {  	[tilespmem:$0x270] =	vst v0  }
0x2e: {  	[tilespmem:$0x280] =	vst v0  }
0x2f: {  	[tilespmem:$0x290] =	vst v0  }
0x30: {  	[tilespmem:$0x2A0] =	vst v0  }
0x31: {  	[tilespmem:$0x2B0] =	vst v0  }
0x32: {  	[tilespmem:$0x2C0] =	vst v0  }
0x33: {  	[tilespmem:$0x2D0] =	vst v0  }
0x34: {  	[tilespmem:$0x2E0] =	vst v0  }
0x35: {  	[tilespmem:$0x2F0] =	vst v0  }
0x36: {  	[tilespmem:$0x300] =	vst v0  }
0x37: {  	[tilespmem:$0x310] =	vst v0  }
0x38: {  	[tilespmem:$0x320] =	vst v0  }
0x39: {  	[tilespmem:$0x330] =	vst v0  }
0x3a: {  	[tilespmem:$0x340] =	vst v0  }
0x3b: {  	[tilespmem:$0x350] =	vst v0  }
0x3c: {  	[tilespmem:$0x360] =	vst v0  }
0x3d: {  	[tilespmem:$0x370] =	vst v0  }
0x3e: {  	[tilespmem:$0x380] =	vst v0  }
0x3f: {  	[tilespmem:$0x390] =	vst v0  }
0x40: {  	[tilespmem:$0x3A0] =	vst v0  }
0x41: {  	[tilespmem:$0x3B0] =	vst v0  }
0x42: {  	[tilespmem:$0x3C0] =	vst v0  }
0x43: {  	[tilespmem:$0x3D0] =	vst v0  }
0x44: {  	[tilespmem:$0x3E0] =	vst v0  }
0x45: {  	[tilespmem:$0x3F0] =	vst v0  }
0x46: {  	[tilespmem:$0x400] =	vst v0  }
0x47: {  	[tilespmem:$0x410] =	vst v0  }
0x48: {  	[tilespmem:$0x420] =	vst v0  }
0x49: {  	[tilespmem:$0x430] =	vst v0  }
0x4a: {  	[tilespmem:$0x440] =	vst v0  }
0x4b: {  	[tilespmem:$0x450] =	vst v0  }
0x4c: {  	[tilespmem:$0x460] =	vst v0  }
0x4d: {  	[tilespmem:$0x470] =	vst v0  }
0x4e: {  	[tilespmem:$0x480] =	vst v0  }
0x4f: {  	[tilespmem:$0x490] =	vst v0  }
0x50: {  	[tilespmem:$0x4A0] =	vst v0  }
0x51: {  	[tilespmem:$0x4B0] =	vst v0  }
0x52: {  	[tilespmem:$0x4C0] =	vst v0  }
0x53: {  	[tilespmem:$0x4D0] =	vst v0  }
0x54: {  	[tilespmem:$0x4E0] =	vst v0  }
0x55: {  	[tilespmem:$0x4F0] =	vst v0  }
0x56: {  	[tilespmem:$0x500] =	vst v0  }
0x57: {  	[tilespmem:$0x510] =	vst v0  }
0x58: {  	[tilespmem:$0x520] =	vst v0  }
0x59: {  	[tilespmem:$0x530] =	vst v0  }
0x5a: {  	[tilespmem:$0x540] =	vst v0  }
0x5b: {  	[tilespmem:$0x550] =	vst v0  }
0x5c: {  	[tilespmem:$0x560] =	vst v0  }
0x5d: {  	[tilespmem:$0x570] =	vst v0  }
0x5e: {  	[tilespmem:$0x580] =	vst v0  }
0x5f: {  	[tilespmem:$0x590] =	vst v0  }
0x60: {  	[tilespmem:$0x5A0] =	vst v0  }
0x61: {  	[tilespmem:$0x5B0] =	vst v0  }
0x62: {  	[tilespmem:$0x5C0] =	vst v0  }
0x63: {  	[tilespmem:$0x5D0] =	vst v0  }
0x64: {  	[tilespmem:$0x5E0] =	vst v0  }
0x65: {  	[tilespmem:$0x5F0] =	vst v0  }
0x66: {  	[tilespmem:$0x600] =	vst v0  }
0x67: {  	[tilespmem:$0x610] =	vst v0  }
0x68: {  	[tilespmem:$0x620] =	vst v0  }
0x69: {  	[tilespmem:$0x630] =	vst v0  }
0x6a: {  	[tilespmem:$0x640] =	vst v0  }
0x6b: {  	[tilespmem:$0x650] =	vst v0  }
0x6c: {  	[tilespmem:$0x660] =	vst v0  }
0x6d: {  	[tilespmem:$0x670] =	vst v0  }
0x6e: {  	[tilespmem:$0x680] =	vst v0  }
0x6f: {  	[tilespmem:$0x690] =	vst v0  }
0x70: {  	[tilespmem:$0x6A0] =	vst v0  }
0x71: {  	[tilespmem:$0x6B0] =	vst v0  }
0x72: {  	[tilespmem:$0x6C0] =	vst v0  }
0x73: {  	[tilespmem:$0x6D0] =	vst v0  }
0x74: {  	[tilespmem:$0x6E0] =	vst v0  }
0x75: {  	[tilespmem:$0x6F0] =	vst v0  }
0x76: {  	[tilespmem:$0x700] =	vst v0  }
0x77: {  	[tilespmem:$0x710] =	vst v0  }
0x78: {  	[tilespmem:$0x720] =	vst v0  }
0x79: {  	[tilespmem:$0x730] =	vst v0  }
0x7a: {  	[tilespmem:$0x740] =	vst v0  }
0x7b: {  	[tilespmem:$0x750] =	vst v0  }
0x7c: {  	[tilespmem:$0x760] =	vst v0  }
0x7d: {  	[tilespmem:$0x770] =	vst v0  }
0x7e: {  	[tilespmem:$0x780] =	vst v0  }
0x7f: {  	[tilespmem:$0x790] =	vst v0  }
0x80: {  	[tilespmem:$0x7A0] =	vst v0  }
0x81: {  	[tilespmem:$0x7B0] =	vst v0  }
0x82: {  	[tilespmem:$0x7C0] =	vst v0  }
0x83: {  	[tilespmem:$0x7D0] =	vst v0  }
0x84: {  	[tilespmem:$0x7E0] =	vst v0  }
0x85: {  	[tilespmem:$0x7F0] =	vst v0  }
0x86: {  	[tilespmem:$0x800] =	vst v0  }
0x87: {  	[tilespmem:$0x810] =	vst v0  }
0x88: {  	[tilespmem:$0x820] =	vst v0  }
0x89: {  	[tilespmem:$0x830] =	vst v0  }
0x8a: {  	[tilespmem:$0x840] =	vst v0  }
0x8b: {  	[tilespmem:$0x850] =	vst v0  }
0x8c: {  	[tilespmem:$0x860] =	vst v0  }
0x8d: {  	[tilespmem:$0x870] =	vst v0  }
0x8e: {  	[tilespmem:$0x880] =	vst v0  }
0x8f: {  	[tilespmem:$0x890] =	vst v0  }
0x90: {  	[tilespmem:$0x8A0] =	vst v0  }
0x91: {  	[tilespmem:$0x8B0] =	vst v0  }
0x92: {  	[tilespmem:$0x8C0] =	vst v0  }
0x93: {  	[tilespmem:$0x8D0] =	vst v0  }
0x94: {  	[tilespmem:$0x8E0] =	vst v0  }
0x95: {  	[tilespmem:$0x8F0] =	vst v0  }
0x96: {  	[tilespmem:$0x900] =	vst v0  }
0x97: {  	[tilespmem:$0x910] =	vst v0  }
0x98: {  	[tilespmem:$0x920] =	vst v0  }
0x99: {  	[tilespmem:$0x930] =	vst v0  }
0x9a: {  	[tilespmem:$0x940] =	vst v0  }
0x9b: {  	[tilespmem:$0x950] =	vst v0  }
0x9c: {  	[tilespmem:$0x960] =	vst v0  }
0x9d: {  	[tilespmem:$0x970] =	vst v0  }
0x9e: {  	[tilespmem:$0x980] =	vst v0  }
0x9f: {  	[tilespmem:$0x990] =	vst v0  }
0xa0: {  	[tilespmem:$0x9A0] =	vst v0  }
0xa1: {  	[tilespmem:$0x9B0] =	vst v0  }
0xa2: {  	[tilespmem:$0x9C0] =	vst v0  }
0xa3: {  	[tilespmem:$0x9D0] =	vst v0  }
0xa4: {  	[tilespmem:$0x9E0] =	vst v0  }
0xa5: {  	[tilespmem:$0x9F0] =	vst v0  }
0xa6: {  	[tilespmem:$0xA00] =	vst v0  }
0xa7: {  	[tilespmem:$0xA10] =	vst v0  }
0xa8: {  	[tilespmem:$0xA20] =	vst v0  }
0xa9: {  	[tilespmem:$0xA30] =	vst v0  }
0xaa: {  	[tilespmem:$0xA40] =	vst v0  }
0xab: {  	[tilespmem:$0xA50] =	vst v0  }
0xac: {  	[tilespmem:$0xA60] =	vst v0  }
0xad: {  	[tilespmem:$0xA70] =	vst v0  }
0xae: {  	[tilespmem:$0xA80] =	vst v0  }
0xaf: {  	[tilespmem:$0xA90] =	vst v0  }
0xb0: {  	[tilespmem:$0xAA0] =	vst v0  }
0xb1: {  	[tilespmem:$0xAB0] =	vst v0  }
0xb2: {  	[tilespmem:$0xAC0] =	vst v0  }
0xb3: {  	[tilespmem:$0xAD0] =	vst v0  }
0xb4: {  	[tilespmem:$0xAE0] =	vst v0  }
0xb5: {  	[tilespmem:$0xAF0] =	vst v0  }
0xb6: {  	[tilespmem:$0xB00] =	vst v0  }
0xb7: {  	[tilespmem:$0xB10] =	vst v0  }
0xb8: {  	[tilespmem:$0xB20] =	vst v0  }
0xb9: {  	[tilespmem:$0xB30] =	vst v0  }
0xba: {  	[tilespmem:$0xB40] =	vst v0  }
0xbb: {  	[tilespmem:$0xB50] =	vst v0  }
0xbc: {  	[tilespmem:$0xB60] =	vst v0  }
0xbd: {  	[tilespmem:$0xB70] =	vst v0  }
0xbe: {  	[tilespmem:$0xB80] =	vst v0  }
0xbf: {  	[tilespmem:$0xB90] =	vst v0  }
0xc0: {  	[tilespmem:$0xBA0] =	vst v0  }
0xc1: {  	[tilespmem:$0xBB0] =	vst v0  }
0xc2: {  	[tilespmem:$0xBC0] =	vst v0  }
0xc3: {  	[tilespmem:$0xBD0] =	vst v0  }
0xc4: {  	[tilespmem:$0xBE0] =	vst v0  }
0xc5: {  	[tilespmem:$0xBF0] =	vst v0  }
0xc6: {  	[tilespmem:$0xC00] =	vst v0  }
0xc7: {  	[tilespmem:$0xC10] =	vst v0  }
0xc8: {  	[tilespmem:$0xC20] =	vst v0  }
0xc9: {  	[tilespmem:$0xC30] =	vst v0  }
0xca: {  	[tilespmem:$0xC40] =	vst v0  }
0xcb: {  	[tilespmem:$0xC50] =	vst v0  }
0xcc: {  	[tilespmem:$0xC60] =	vst v0  }
0xcd: {  	[tilespmem:$0xC70] =	vst v0  }
0xce: {  	[tilespmem:$0xC80] =	vst v0  }
0xcf: {  	[tilespmem:$0xC90] =	vst v0  }
0xd0: {  	[tilespmem:$0xCA0] =	vst v0  }
0xd1: {  	[tilespmem:$0xCB0] =	vst v0  }
0xd2: {  	[tilespmem:$0xCC0] =	vst v0  }
0xd3: {  	[tilespmem:$0xCD0] =	vst v0  }
0xd4: {  	[tilespmem:$0xCE0] =	vst v0  }
0xd5: {  	[tilespmem:$0xCF0] =	vst v0  }
0xd6: {  	[tilespmem:$0xD00] =	vst v0  }
0xd7: {  	[tilespmem:$0xD10] =	vst v0  }
0xd8: {  	[tilespmem:$0xD20] =	vst v0  }
0xd9: {  	[tilespmem:$0xD30] =	vst v0  }
0xda: {  	s3 =	stileid.u32;
	[tilespmem:$0xD40] =	vst v0  }
0xdb: {  	s8 =	smul.u32 $0xF420, s3;
	[tilespmem:$0xD50] =	vst v0  }
0xdc: {  	[tilespmem:$0xD60] =	vst v0  }
0xdd: {  	[tilespmem:$0xD70] =	vst v0;
	s4 =	sshrl.u32 s8, $0x3  }
0xde: {  	[tilespmem:$0xD80] =	vst v0;
	s4 =	sadd.s32 s1, s4  }
0xdf: {  	[hbm4b:s4+s2] =	stream.linear.scatter [tilespmem:s2], [sflag:$0x1], $0xD90, $0x38;
	[tilespmem:$0xF00] =	vst v63  }
0xe0: {  	s5 =	sadd.s32 $0x1B2, s4  }
0xe1: {  	[hbm4b:s5+s2] =	stream.linear.scatter [tilespmem:s2], [sflag:$0x1], $0xD90, $0x38;
	[tilespmem:$0xF00] =	vst v63  }
0xe2: {  	s9 =	sadd.s32 $0x364, s4  }
0xe3: {  	[hbm4b:s9+s2] =	stream.linear.scatter [tilespmem:s2], [sflag:$0x1], $0xD90, $0x38;
	[tilespmem:$0xF00] =	vst v63  }
0xe4: {  	s10 =	sadd.s32 $0x516, s4  }
0xe5: {  	[hbm4b:s10+s2] =	stream.linear.scatter [tilespmem:s2], [sflag:$0x1], $0xD90, $0x38;
	[tilespmem:$0xF00] =	vst v63  }
0xe6: {  	s11 =	sadd.s32 $0x6C8, s4  }
0xe7: {  	[hbm4b:s11+s2] =	stream.linear.scatter [tilespmem:s2], [sflag:$0x1], $0xD90, $0x38;
	[tilespmem:$0xF00] =	vst v63  }
0xe8: {  	s12 =	sadd.s32 $0x87A, s4  }
0xe9: {  	[hbm4b:s12+s2] =	stream.linear.scatter [tilespmem:s2], [sflag:$0x1], $0xD90, $0x38;
	[tilespmem:$0xF00] =	vst v63  }
0xea: {  	s13 =	sadd.s32 $0xA2C, s4  }
0xeb: {  	[hbm4b:s13+s2] =	stream.linear.scatter [tilespmem:s2], [sflag:$0x1], $0xD90, $0x38;
	[tilespmem:$0xF00] =	vst v63  }
0xec: {  	s14 =	sadd.s32 $0xBDE, s4  }
0xed: {  	[hbm4b:s14+s2] =	stream.linear.scatter [tilespmem:s2], [sflag:$0x1], $0xD90, $0x38;
	[tilespmem:$0xF00] =	vst v63  }
0xee: {  	s15 =	sadd.s32 $0xD90, s4  }
0xef: {  	[hbm4b:s15+s2] =	stream.linear.scatter [tilespmem:s2], [sflag:$0x1], $0xD90, $0x38;
	[tilespmem:$0xF00] =	vst v63  }
0xf0: {  	s16 =	sadd.s32 $0xF42, s4  }
0xf1: {  	[hbm4b:s16+s2] =	stream.linear.scatter [tilespmem:s2], [sflag:$0x1], $0xD90, $0x38;
	[tilespmem:$0xF00] =	vst v63  }
0xf2: {  	s17 =	sadd.s32 $0x10F4, s4  }
0xf3: {  	[hbm4b:s17+s2] =	stream.linear.scatter [tilespmem:s2], [sflag:$0x1], $0xD90, $0x38;
	[tilespmem:$0xF00] =	vst v63  }
0xf4: {  	s18 =	sadd.s32 $0x12A6, s4  }
0xf5: {  	[hbm4b:s18+s2] =	stream.linear.scatter [tilespmem:s2], [sflag:$0x1], $0xD90, $0x38;
	[tilespmem:$0xF00] =	vst v63  }
0xf6: {  	s19 =	sadd.s32 $0x1458, s4  }
0xf7: {  	[hbm4b:s19+s2] =	stream.linear.scatter [tilespmem:s2], [sflag:$0x1], $0xD90, $0x38;
	[tilespmem:$0xF00] =	vst v63  }
0xf8: {  	s20 =	sadd.s32 $0x160A, s4  }
0xf9: {  	[hbm4b:s20+s2] =	stream.linear.scatter [tilespmem:s2], [sflag:$0x1], $0xD90, $0x38;
	[tilespmem:$0xF00] =	vst v63  }
0xfa: {  	s21 =	sadd.s32 $0x17BC, s4  }
0xfb: {  	[hbm4b:s21+s2] =	stream.linear.scatter [tilespmem:s2], [sflag:$0x1], $0xD90, $0x38;
	[tilespmem:$0xF00] =	vst v63  }
0xfc: {  	s22 =	sadd.s32 $0x196E, s4  }
0xfd: {  	[hbm4b:s22+s2] =	stream.linear.scatter [tilespmem:s2], [sflag:$0x1], $0xD90, $0x38;
	[tilespmem:$0xF00] =	vst v63  }
0xfe: {  	s23 =	sadd.s32 $0x1B20, s4  }
0xff: {  	[hbm4b:s23+s2] =	stream.linear.scatter [tilespmem:s2], [sflag:$0x1], $0xD90, $0x38;
	[tilespmem:$0xF00] =	vst v63  }
0x100: {  	p0 =	sne.s32 s3, $0x0;
	s4 =	sadd.s32 $0x1CD2, s4  }
0x101: {  	[hbm4b:s4+s2] =	stream.linear.scatter [tilespmem:s2], [sflag:$0x1], $0xD90, $0x38;
	[tilespmem:$0xF00] =	vst v63  }
0x102: {  	s24 =	simm.s32 $0x2;
	s2 =	sadd.s32 @!p0 $0x1E840, s1;
	s4 =	simm.s32 @!p0 $0x0  }
0x103: {  	[hbm4b:s2+s4] =	stream.linear.scatter @!p0 [tilespmem:s4], [sflag:$0x1], $0x40, $0x38;
	[tilespmem:$0xF00] =	vst v63  }
0x104: {  	_ =	swait.ge [sflag:s24], $0x2  }
0x105: {  	[sflag:s24] =	ssyncset.done $0x0  }
0x106: {  	[sflag:s24] =	ssyncadd.s32 $0xFFFFFFFE  }
0x107: {  	v1 =	vld [tilespmem:$0xE00];
	_ =	sdelay $0x4  }
0x108: {  	(v2sf) =	vpush v1, $0x0;
	_ =	sdelay $0x1  }
0x109: {  	(v2sf) =	vpush v1, $0x1;
	_ =	sdelay $0xc  }
0x10a: {  	s25 =	spop (v2sf)  }
0x10b: {  	s2 =	smul.u32 $0x3E8, s25  }
0x10c: {  	s26 =	spop (v2sf)  }
0x10d: {  	s4 =	sadd.s32 s26, s2  }
0x10e: {  	s2 =	sand.u32 $0xF, s4  }
0x10f: {  	s6 =	sshra.s32 s4, $0x1F;
	p1 =	slt.s32 s4, $0x1;
	p2 =	sne.s32 s2, $0x0  }
0x110: {  	s28 =	sshrl.u32 s6, $0x1C;
	p2 =	por !p1, !p2  }
0x111: {  	s5 =	simm.s32 $0x1;
	s2 =	sadd.s32 s28, s4;
	p2 =	por !p2, !p2  }
0x112: {  	s2 =	sshrl.u32 s2, $0x4;
	s5 =	simm.s32 @!p2 $0x0  }
0x113: {  	s2 =	ssub.s32 s2, s5  }
0x114: {  	s2 =	sshll.u32 s2, $0x4  }
0x115: {  	s29 =	ssub.s32 s4, s2  }
0x116: {  	v2 =	vlaneseq.u32;
	v63 =	vmov s29  }
0x117: {  	vm0 =	veq.s32 v63, v2  }
0x118: {  	v0 =	vsel vm0, $0x3F800000, v0  }
0x119: {  	s30 =	simm.s32 $0x1;
	[tilespmem:$0xE80] =	vst v0  }
0x11a: {  	_ =	swait.ge [sflag:s30], $0xD90  }
0x11b: {  	[sflag:s30] =	ssyncset.done $0x0  }
0x11c: {  	[sflag:s30] =	ssyncadd.s32 $0xFFFFF270  }
0x11d: {  	_ =	swait.ge [sflag:s30], $0xD90  }
0x11e: {  	[sflag:s30] =	ssyncset.done $0x0  }
0x11f: {  	[sflag:s30] =	ssyncadd.s32 $0xFFFFF270  }
0x120: {  	_ =	swait.ge [sflag:s30], $0xD90  }
0x121: {  	[sflag:s30] =	ssyncset.done $0x0  }
0x122: {  	[sflag:s30] =	ssyncadd.s32 $0xFFFFF270  }
0x123: {  	_ =	swait.ge [sflag:s30], $0xD90  }
0x124: {  	[sflag:s30] =	ssyncset.done $0x0  }
0x125: {  	[sflag:s30] =	ssyncadd.s32 $0xFFFFF270  }
0x126: {  	_ =	swait.ge [sflag:s30], $0xD90  }
0x127: {  	[sflag:s30] =	ssyncset.done $0x0  }
0x128: {  	[sflag:s30] =	ssyncadd.s32 $0xFFFFF270  }
0x129: {  	_ =	swait.ge [sflag:s30], $0xD90  }
0x12a: {  	[sflag:s30] =	ssyncset.done $0x0  }
0x12b: {  	[sflag:s30] =	ssyncadd.s32 $0xFFFFF270  }
0x12c: {  	_ =	swait.ge [sflag:s30], $0xD90  }
0x12d: {  	[sflag:s30] =	ssyncset.done $0x0  }
0x12e: {  	[sflag:s30] =	ssyncadd.s32 $0xFFFFF270  }
0x12f: {  	_ =	swait.ge [sflag:s30], $0xD90  }
0x130: {  	[sflag:s30] =	ssyncset.done $0x0  }
0x131: {  	[sflag:s30] =	ssyncadd.s32 $0xFFFFF270  }
0x132: {  	_ =	swait.ge [sflag:s30], $0xD90  }
0x133: {  	[sflag:s30] =	ssyncset.done $0x0  }
0x134: {  	[sflag:s30] =	ssyncadd.s32 $0xFFFFF270  }
0x135: {  	_ =	swait.ge [sflag:s30], $0xD90  }
0x136: {  	[sflag:s30] =	ssyncset.done $0x0  }
0x137: {  	[sflag:s30] =	ssyncadd.s32 $0xFFFFF270  }
0x138: {  	_ =	swait.ge [sflag:s30], $0xD90  }
0x139: {  	[sflag:s30] =	ssyncset.done $0x0  }
0x13a: {  	[sflag:s30] =	ssyncadd.s32 $0xFFFFF270  }
0x13b: {  	_ =	swait.ge [sflag:s30], $0xD90  }
0x13c: {  	[sflag:s30] =	ssyncset.done $0x0  }
0x13d: {  	[sflag:s30] =	ssyncadd.s32 $0xFFFFF270  }
0x13e: {  	_ =	swait.ge [sflag:s30], $0xD90  }
0x13f: {  	[sflag:s30] =	ssyncset.done $0x0  }
0x140: {  	s7 =	smulhi.u32 $0x8639F003, s4;
	[sflag:s30] =	ssyncadd.s32 $0xFFFFF270  }
0x141: {  	s6 =	smul.u32 $0x8639F003, s6;
	_ =	swait.ge [sflag:s30], $0xD90  }
0x142: {  	s7 =	ssub.s32 s7, s4;
	[sflag:s30] =	ssyncset.done $0x0  }
0x143: {  	s6 =	sadd.s32 s6, s7;
	[sflag:s30] =	ssyncadd.s32 $0xFFFFF270  }
0x144: {  	s6 =	sadd.s32 s4, s6;
	_ =	swait.ge [sflag:s30], $0xD90  }
0x145: {  	s31 =	sshrl.u32 s6, $0x1F;
	s6 =	sshra.s32 s6, $0xF;
	[sflag:s30] =	ssyncset.done $0x0  }
0x146: {  	s6 =	sadd.s32 s31, s6;
	[sflag:s30] =	ssyncadd.s32 $0xFFFFF270  }
0x147: {  	s7 =	smul.u32 $0xFFFF0BE0, s6;
	_ =	swait.ge [sflag:s30], $0xD90  }
0x148: {  	s4 =	ssub.s32 $0x0, s4;
	[sflag:s30] =	ssyncset.done $0x0  }
0x149: {  	p6 =	sne.s32 s7, s4;
	[sflag:s30] =	ssyncadd.s32 $0xFFFFF270  }
0x14a: {  	p1 =	por !p1, !p6;
	_ =	swait.ge [sflag:s30], $0xD90  }
0x14b: {  	s4 =	simm.s32 $0x1;
	p1 =	por !p1, !p1;
	[sflag:s30] =	ssyncset.done $0x0  }
0x14c: {  	s4 =	simm.s32 @!p1 $0x0;
	[sflag:s30] =	ssyncadd.s32 $0xFFFFF270  }
0x14d: {  	s4 =	ssub.s32 s6, s4;
	_ =	swait.ge [sflag:s30], $0xD90  }
0x14e: {  	p1 =	sgt.s32 s4, $0xF;
	[sflag:s30] =	ssyncset.done $0x0  }
0x14f: {  	s5 =	simm.s32 @!p0 $0x1;
	s4 =	simm.s32 @p1 $0x0;
	[sflag:s30] =	ssyncadd.s32 $0xFFFFF270  }
0x150: {  	p1 =	sne.s32 s3, s4;
	_ =	swait.ge @!p0 [sflag:s5], $0x40  }
0x151: {  	s2 =	sshrl.u32 @!p1 s2, $0x3;
	s3 =	simm.s32 @!p1 $0xE80;
	[sflag:s5] =	ssyncset.done @!p0 $0x0  }
0x152: {  	s1 =	sadd.s32 @!p1 s1, s2;
	s2 =	simm.s32 @!p1 $0x0;
	[sflag:s5] =	ssyncadd.s32 @!p0 $0xFFFFFFC0  }
0x153: {  	[hbm4b:s1+s2] =	stream.linear.scatter @!p1 [tilespmem:s3], [sflag:$0x3], $0x10, $0x38;
	[tilespmem:$0xF00] =	vst v63  }
0x154: {  	s1 =	simm.s32 @!p1 $0x3  }
0x155: {  	_ =	swait.ge @!p1 [sflag:s1], $0x10  }
0x156: {  	[sflag:s1] =	ssyncset.done @!p1 $0x0  }
0x157: {  	[sflag:s1] =	ssyncadd.s32 @!p1 $0xFFFFFFF0  }
0x158: {  	_ =	sfence.sel $0x180000  }
0x159: {  	[bflag:$0x0] =	sbarrier.arrive $0xFFFF  }
0x15a: {  	_ =	strace $0x90000047  }
0x15b: {  	s0 =	sadd.s32 @!p0 $0x100000, s0;
	[bflag:$0x2] =	sbarrier.arrive $0xFFFF  }
0x15c: {  	[sflag:s0] =	ssyncadd.tile.s32 @!p0 $0x1;
	_ =	shalt  }
.Lfunc_end2:
_tile_overlayer_lowered:
.L_overlay_start_2:
0x15d: {  	(tag) =	ssettag $0x2  }
0x15e: {  	s0 =	rddreg [dreg:$0x0];
	s2 =	stileid.u32  }
0x15f: {  	s1 =	rddreg [dreg:$0x1];
	p0 =	sne.s32 s2, $0x0  }
0x160: {  	s3 =	rddreg [dreg:$0x2];
	[bflag:$0x3] =	sbarrier.arrive $0xFFFF;
	s2 =	simm.s32 @!p0 $0x1C03  }
0x161: {  	[timem:s3], [sflag:s2] =	dma.local @!p0 [hbm:s0], s1  }
0x162: {  	s0 =	simm.s32 @!p0 $0x3  }
0x163: {  	_ =	swait.ge @!p0 [sflag:s0], s1  }
0x164: {  	s1 =	ssub.s32 @!p0 $0x0, s1;
	[sflag:s0] =	ssyncset.done @!p0 $0x0  }
0x165: {  	[sflag:s0] =	ssyncadd.s32 @!p0 s1  }
0x166: {  	[bflag:$0x3] =	sbarrier.arrive $0xFFFF  }
0x167: {  	_ =	shalt  }

</sc_bundles>
